<compile_context>
chip_gen: v7x
topology: tpu7x:2x2x1
jax: 0.10.2.dev20260603
libtpu: 0.0.44.dev20260713+nightly
codegen_flags: <defaults>
</compile_context>

<pallas_src>
import functools

import jax
import jax.numpy as jnp
from jax import lax
from jax.experimental import pallas as pl
from jax.experimental.pallas import tpu as pltpu
from jax.experimental.pallas import tpu_sc as plsc

NUM_CORES = 2
NUM_SUBCORES = 16
NUM_WORKERS = NUM_CORES * NUM_SUBCORES
GROUP = 128
K = 2
NBUF = 4
LANES = 16


@functools.partial(jax.jit, static_argnames=("hist", "d"))
def _sc_gather_t(idx, table, *, hist, d):
    total = idx.shape[0]
    batch = total // hist
    nblk = batch // GROUP
    n_units = hist * nblk
    units_per_w = n_units // NUM_WORKERS
    n_chunks = units_per_w // K
    n_rounds = n_chunks // NBUF
    assert n_chunks == n_rounds * NBUF and n_rounds >= 3
    assert d == 32

    mesh = plsc.VectorSubcoreMesh(
        core_axis_name="c", subcore_axis_name="s",
        num_cores=NUM_CORES, num_subcores=NUM_SUBCORES,
    )

    @functools.partial(
        pl.kernel,
        out_type=jax.ShapeDtypeStruct((hist, d // 8, nblk, 8, GROUP),
                                      jnp.float32),
        mesh=mesh,
        scratch_types=[
            [pltpu.VMEM((K * GROUP,), jnp.int32) for _ in range(NBUF)],
            [pltpu.VMEM((K, GROUP, d), jnp.float32) for _ in range(NBUF)],
            [pltpu.VMEM((K, d, GROUP + 5), jnp.float32) for _ in range(NBUF)],
            [pltpu.SemaphoreType.DMA for _ in range(NBUF)],
            [pltpu.SemaphoreType.DMA for _ in range(NBUF)],
            [pltpu.SemaphoreType.DMA for _ in range(NBUF)],
        ],
        compiler_params=pltpu.CompilerParams(
            use_tc_tiling_on_sc=False, needs_layout_passes=False),
    )
    def gather_kernel(idx_hbm, table_hbm, out_hbm, ivs, rvs, tvs,
                      isems, gsems, osems):
        wid = lax.axis_index("s") * NUM_CORES + lax.axis_index("c")
        ubase = wid * units_per_w
        lane_iota = lax.iota(jnp.int32, LANES)

        def fire_idx(ch, q):
            pltpu.make_async_copy(
                idx_hbm.at[pl.ds((ubase + ch * K) * GROUP, K * GROUP)],
                ivs[q], isems[q]).start()

        def wait_idx(q):
            pltpu.make_async_copy(
                idx_hbm.at[pl.ds(ubase * GROUP, K * GROUP)],
                ivs[q], isems[q]).wait()

        def fire_gathers(b):
            for j in range(K):
                pltpu.make_async_copy(
                    table_hbm.at[ivs[b].at[pl.ds(j * GROUP, GROUP)]],
                    rvs[b].at[j], gsems[b]).start()

        def wait_gathers(q):
            pltpu.make_async_copy(
                out_hbm.at[0].at[pl.ds(0, K)], rvs[q], gsems[q]).wait()

        zero16 = lane_iota * 0

        def transpose_chunk(q):
            for j in range(K):
                dst = tvs[q].at[j]

                @plsc.parallel_loop(0, GROUP, unroll=8)
                def _(l):
                    l_vec = zero16 + l
                    for g in range(d // LANES):
                        vec = rvs[q][j, l, pl.ds(g * LANES, LANES)]
                        plsc.store_scatter(
                            dst, [g * LANES + lane_iota, l_vec], vec)

        def fire_writes(ch, q):
            u0 = ubase + ch * K
            for j in range(K):
                u = u0 + j
                h = u // nblk
                c = lax.rem(u, nblk)
                for r in range(d // 8):
                    pltpu.make_async_copy(
                        tvs[q].at[j, pl.ds(r * 8, 8), pl.ds(0, GROUP)],
                        out_hbm.at[h, r, c], osems[q]).start()

        def wait_writes(q):
            for _ in range(K * (d // 8)):
                pltpu.make_async_copy(
                    tvs[q].at[0, pl.ds(0, 8), pl.ds(0, GROUP)],
                    out_hbm.at[0, 0, 0], osems[q]).wait()

        fire_idx(0, 0)
        for b in range(NBUF):
            if b >= 2:
                wait_gathers(b - 2)
                transpose_chunk(b - 2)
                fire_writes(b - 2, b - 2)
            wait_idx(b)
            fire_gathers(b)
            fire_idx(b + 1, (b + 1) % NBUF)

        def round_body(r, carry):
            v0 = r * NBUF
            for b in range(NBUF):
                v = v0 + b
                q = (b + 2) % NBUF
                wait_gathers(q)
                transpose_chunk(q)
                fire_writes(v - 2, q)
                wait_writes(b)
                wait_idx(b)
                fire_gathers(b)
                fire_idx(v + 1, (b + 1) % NBUF)
            return carry

        lax.fori_loop(1, n_rounds - 1, round_body, 0)

        v0 = (n_rounds - 1) * NBUF
        for b in range(NBUF):
            v = v0 + b
            q = (b + 2) % NBUF
            wait_gathers(q)
            transpose_chunk(q)
            fire_writes(v - 2, q)
            wait_writes(b)
            wait_idx(b)
            fire_gathers(b)
            if b + 1 < NBUF:
                fire_idx(v + 1, b + 1)

        n = n_chunks
        wait_gathers(2)
        transpose_chunk(2)
        fire_writes(n - 2, 2)
        wait_gathers(3)
        transpose_chunk(3)
        fire_writes(n - 1, 3)
        for q in range(NBUF):
            wait_writes(q)

    return gather_kernel(idx, table)


@functools.partial(jax.jit, static_argnames=("d",))
def _sc_table_transpose(tab_t, *, d):
    v = tab_t.shape[1]
    blk = GROUP
    n_full = v // blk
    base_per_w = n_full // NUM_WORKERS
    n_extra = n_full - base_per_w * NUM_WORKERS
    n_pairs = (base_per_w + 2) // 2

    mesh = plsc.VectorSubcoreMesh(
        core_axis_name="c", subcore_axis_name="s",
        num_cores=NUM_CORES, num_subcores=NUM_SUBCORES,
    )

    @functools.partial(
        pl.kernel,
        out_type=jax.ShapeDtypeStruct((v * d,), jnp.float32),
        mesh=mesh,
        scratch_types=[
            [pltpu.VMEM((d, blk + 5), jnp.float32) for _ in range(2)],
            [pltpu.VMEM((blk * d,), jnp.float32) for _ in range(2)],
            [pltpu.SemaphoreType.DMA for _ in range(2)],
            [pltpu.SemaphoreType.DMA for _ in range(2)],
        ],
        compiler_params=pltpu.CompilerParams(
            use_tc_tiling_on_sc=True, needs_layout_passes=False),
    )
    def transpose_kernel(tab_hbm, out_hbm, spads, flats, isems, osems):
        wid = lax.axis_index("s") * NUM_CORES + lax.axis_index("c")
        n_w = base_per_w + jnp.where(wid < n_extra, 1, 0)
        lane_iota = lax.iota(jnp.int32, LANES)
        zero16 = lane_iota * 0

        def col_of(k):
            return wid + NUM_WORKERS * k

        def fire_in(k, b):
            pltpu.make_async_copy(
                tab_hbm.at[:, pl.ds(col_of(k) * blk, blk)],
                spads[b].at[:, pl.ds(0, blk)], isems[b]).start()

        def wait_in(b):
            pltpu.make_async_copy(
                tab_hbm.at[:, pl.ds(0, blk)],
                spads[b].at[:, pl.ds(0, blk)], isems[b]).wait()

        def transpose_block(b):
            spad = spads[b]
            flat = flats[b]

            @plsc.parallel_loop(0, blk, unroll=8)
            def _(l):
                l_vec = zero16 + l
                for g in range(d // LANES):
                    vec = plsc.load_gather(
                        spad, [g * LANES + lane_iota, l_vec])
                    flat[pl.ds(l * d + g * LANES, LANES)] = vec

        def fire_out(k, b):
            pltpu.make_async_copy(
                flats[b], out_hbm.at[pl.ds(col_of(k) * blk * d, blk * d)],
                osems[b]).start()

        def wait_out(b):
            pltpu.make_async_copy(
                flats[b], out_hbm.at[pl.ds(0, blk * d)], osems[b]).wait()

        fire_in(0, 0)
        fire_in(1, 1)

        def pair_body(r, carry):
            for b in range(2):
                k = 2 * r + b

                @pl.when(k < n_w)
                def _():
                    wait_in(b)

                    @pl.when(k >= 2)
                    def _():
                        wait_out(b)

                    transpose_block(b)
                    fire_out(k, b)

                    @pl.when(k + 2 < n_w)
                    def _():
                        fire_in(k + 2, b)
            return carry

        lax.fori_loop(0, n_pairs, pair_body, 0)
        wait_out(0)
        wait_out(1)

    return transpose_kernel(tab_t)


def kernel(x, table):
    batch, hist = x.shape
    vocab, d = table.shape
    idx = x.T.reshape(batch * hist).astype(jnp.int32)
    t_lin = _sc_table_transpose(table.T, d=d)
    n_full = vocab // GROUP * GROUP
    if n_full < vocab:
        tail_flat = lax.slice(table, (n_full, 0), (vocab, d)).reshape(-1)
        t_lin = lax.dynamic_update_slice(t_lin, tail_flat, (n_full * d,))
    t_rm = t_lin.reshape(vocab, d)
    t5 = _sc_gather_t(idx, t_rm, hist=hist, d=d)
    out = t5.transpose(2, 4, 0, 1, 3).reshape(batch, hist, d)
    return out

# --- scband reference (transcript-rebuilt; emitter-appended) ---
"""Pipeline reference for scband-dyn-embedding-75265006895642 (READ-ONLY COPY).

The authoritative reference and input builder live on the scoring server;
editing this copy changes nothing except your own understanding.
"""

import jax, jax.numpy as jnp
import numpy as np

VOCAB = 1000000
EMB_DIM = 32
BATCH = 16384
HIST = 200


def setup_inputs(seed: int = 0) -> dict:
    key = jax.random.key(seed)
    k1, k2 = jax.random.split(key)
    x = jax.random.randint(k1, (BATCH, HIST), 0, VOCAB)
    # DynEmbedding holds a list of Embedding(emb_step, embedding_dim) chunks.
    # After warm-up (all ids seen in training), the concatenation of all chunk
    # weight matrices is a single [VOCAB, EMB_DIM] table, and index_map maps
    # each raw key to its running-counter index. We model the steady state
    # where index_map is the identity over [0, VOCAB).
    table = jax.random.normal(k2, (VOCAB, EMB_DIM), dtype=jnp.float32) * 0.02
    return {"x": x, "table": table}


def reference(x, table):
    # forward: for each element, idx = index_map[key];
    # res = params[idx // emb_step].emb.weight[idx % emb_step]
    # which is exactly row idx of the concatenated table.
    out = jnp.take(table, x, axis=0)
    return out

if __name__ == "__main__":
    import jax
    _d = setup_inputs()
    print(jax.jit(kernel)(*tuple(_d.values())))

</pallas_src>

<mosaic_0001>
#map = affine_map<(d0, d1) -> (0, 0)>
#map1 = affine_map<(d0, d1) -> (0)>
module attributes {stable_mosaic.version = 14 : i64} {
  func.func @transpose_kernel(%arg0: i32, %arg1: i32, %arg2: memref<32x1000000xf32, #tpu.memory_space<hbm>>, %arg3: memref<32000000xf32, #tpu.memory_space<hbm>>, %arg4: memref<32x133xf32, #tpu.memory_space<vmem>>, %arg5: memref<32x133xf32, #tpu.memory_space<vmem>>, %arg6: memref<4096xf32, #tpu.memory_space<vmem>>, %arg7: memref<4096xf32, #tpu.memory_space<vmem>>, %arg8: memref<!tpu.dma_semaphore, #tpu.memory_space<semaphore_mem>>, %arg9: memref<!tpu.dma_semaphore, #tpu.memory_space<semaphore_mem>>, %arg10: memref<!tpu.dma_semaphore, #tpu.memory_space<semaphore_mem>>, %arg11: memref<!tpu.dma_semaphore, #tpu.memory_space<semaphore_mem>>) attributes {dimension_semantics = [#tpu.dimension_semantics<core_parallel>, #tpu.dimension_semantics<subcore_parallel>], iteration_bounds = array<i64: 2, 16>, scalar_prefetch = 0 : i64, scratch_operands = 8 : i64, tpu.core_type = #tpu.core_type<sc_vector_subcore>, window_params = [{transform_indices = #map}, {transform_indices = #map1}]} {
    %mul3A = arith.constant 2 : i32
    %mul3A_0 = arith.muli %arg1, %mul3A : i32
    %add3A = arith.addi %mul3A_0, %arg0 : i32
    %lt3A = arith.constant 4 : i32
    %lt3A_1 = arith.cmpi slt, %add3A, %lt3A : i32
    %jit3A = arith.constant 1 : i32
    %jit3A_2 = arith.constant 0 : i32
    %select_n3A = arith.select %lt3A_1, %jit3A, %jit3A_2 : i32
    %add3A_3 = arith.constant 244 : i32
    %add3A_4 = arith.addi %add3A_3, %select_n3A : i32
    %iota3A = tpu.iota {dimensions = array<i32: 0>} : vector<16xi32>
    %mul3A_5 = arith.constant 0 : i32
    %mul3A_6 = vector.broadcast %mul3A_5 : i32 to vector<16xi32>
    %mul3A_7 = arith.muli %iota3A, %mul3A_6 : vector<16xi32>
    %add3A_8 = arith.constant 0 : i32
    %add3A_9 = arith.addi %add3A, %add3A_8 : i32
    %mul3A_10 = arith.constant 128 : i32
    %mul3A_11 = arith.muli %add3A_9, %mul3A_10 : i32
    %dma_start3A = arith.constant 0 : i32
    %dma_start3A_12 = arith.constant 0 : i32
    %dma_start3A_13 = tpu.memref_slice %arg4[%dma_start3A, %dma_start3A_12] : memref<32x133xf32, #tpu.memory_space<vmem>> -> memref<32x128xf32, #tpu.memory_space<vmem>>
    %dma_start3A_14 = arith.constant 0 : i32
    %dma_start3A_15 = tpu.memref_slice %arg2[%dma_start3A_14, %mul3A_11] : memref<32x1000000xf32, #tpu.memory_space<hbm>> -> memref<32x128xf32, #tpu.memory_space<hbm>>
    %dma_start3A_16 = arith.constant 0 : i32
    %dma_start3A_17 = arith.constant 0 : i32
    %dma_start3A_18 = tpu.memref_slice %arg4[%dma_start3A_16, %dma_start3A_17] : memref<32x133xf32, #tpu.memory_space<vmem>> -> memref<32x128xf32, #tpu.memory_space<vmem>>
    %dma_start3A_19 = arith.constant 0 : i32
    %dma_start3A_20 = tpu.memref_slice %arg2[%dma_start3A_19, %mul3A_11] : memref<32x1000000xf32, #tpu.memory_space<hbm>> -> memref<32x128xf32, #tpu.memory_space<hbm>>
    tpu.enqueue_dma source(%dma_start3A_20 : memref<32x128xf32, #tpu.memory_space<hbm>>) target(%dma_start3A_18 : memref<32x128xf32, #tpu.memory_space<vmem>>) target_semaphore(%arg8 : memref<!tpu.dma_semaphore, #tpu.memory_space<semaphore_mem>>)
    %add3A_21 = arith.constant 32 : i32
    %add3A_22 = arith.addi %add3A, %add3A_21 : i32
    %mul3A_23 = arith.constant 128 : i32
    %mul3A_24 = arith.muli %add3A_22, %mul3A_23 : i32
    %dma_start3A_25 = arith.constant 0 : i32
    %dma_start3A_26 = arith.constant 0 : i32
    %dma_start3A_27 = tpu.memref_slice %arg5[%dma_start3A_25, %dma_start3A_26] : memref<32x133xf32, #tpu.memory_space<vmem>> -> memref<32x128xf32, #tpu.memory_space<vmem>>
    %dma_start3A_28 = arith.constant 0 : i32
    %dma_start3A_29 = tpu.memref_slice %arg2[%dma_start3A_28, %mul3A_24] : memref<32x1000000xf32, #tpu.memory_space<hbm>> -> memref<32x128xf32, #tpu.memory_space<hbm>>
    %dma_start3A_30 = arith.constant 0 : i32
    %dma_start3A_31 = arith.constant 0 : i32
    %dma_start3A_32 = tpu.memref_slice %arg5[%dma_start3A_30, %dma_start3A_31] : memref<32x133xf32, #tpu.memory_space<vmem>> -> memref<32x128xf32, #tpu.memory_space<vmem>>
    %dma_start3A_33 = arith.constant 0 : i32
    %dma_start3A_34 = tpu.memref_slice %arg2[%dma_start3A_33, %mul3A_24] : memref<32x1000000xf32, #tpu.memory_space<hbm>> -> memref<32x128xf32, #tpu.memory_space<hbm>>
    tpu.enqueue_dma source(%dma_start3A_34 : memref<32x128xf32, #tpu.memory_space<hbm>>) target(%dma_start3A_32 : memref<32x128xf32, #tpu.memory_space<vmem>>) target_semaphore(%arg9 : memref<!tpu.dma_semaphore, #tpu.memory_space<semaphore_mem>>)
    %scan3A = arith.constant 0 : i32
    %scan3A_35 = arith.constant 0 : i32
    %scan3A_36 = arith.constant 123 : i32
    %scan3A_37 = arith.addi %scan3A_35, %scan3A_36 : i32
    %scan3A_38 = arith.constant 1 : i32
    scf.for %scan3A_47 = %scan3A_35 to %scan3A_37 step %scan3A_38  : i32 {
      %mul3A_48 = arith.constant 2 : i32
      %mul3A_49 = arith.muli %mul3A_48, %scan3A_47 : i32
      %add3A_50 = arith.constant 0 : i32
      %add3A_51 = arith.addi %mul3A_49, %add3A_50 : i32
      %lt3A_52 = arith.cmpi slt, %add3A_51, %add3A_4 : i32
      %convert_element_type3A = arith.extui %lt3A_52 : i1 to i32
      %cond3A = arith.constant 0 : i32
      %cond3A_53 = arith.cmpi ne, %convert_element_type3A, %cond3A : i32
      scf.if %cond3A_53 {
        %dma_wait3A_62 = arith.constant 0 : i32
        %dma_wait3A_63 = arith.constant 0 : i32
        %dma_wait3A_64 = tpu.memref_slice %arg4[%dma_wait3A_62, %dma_wait3A_63] : memref<32x133xf32, #tpu.memory_space<vmem>> -> memref<32x128xf32, #tpu.memory_space<vmem>>
        %dma_wait3A_65 = arith.constant 0 : i32
        %dma_wait3A_66 = arith.constant 0 : i32
        %dma_wait3A_67 = tpu.memref_slice %arg2[%dma_wait3A_65, %dma_wait3A_66] : memref<32x1000000xf32, #tpu.memory_space<hbm>> -> memref<32x128xf32, #tpu.memory_space<hbm>>
        %dma_wait3A_68 = arith.constant 0 : i32
        %dma_wait3A_69 = arith.constant 0 : i32
        %dma_wait3A_70 = tpu.memref_slice %arg4[%dma_wait3A_68, %dma_wait3A_69] : memref<32x133xf32, #tpu.memory_space<vmem>> -> memref<32x128xf32, #tpu.memory_space<vmem>>
        %dma_wait3A_71 = arith.constant 0 : i32
        %dma_wait3A_72 = arith.constant 0 : i32
        %dma_wait3A_73 = tpu.memref_slice %arg2[%dma_wait3A_71, %dma_wait3A_72] : memref<32x1000000xf32, #tpu.memory_space<hbm>> -> memref<32x128xf32, #tpu.memory_space<hbm>>
        tpu.wait_dma2 semaphore(%arg8 : memref<!tpu.dma_semaphore, #tpu.memory_space<semaphore_mem>>) src(%dma_wait3A_73 : memref<32x128xf32, #tpu.memory_space<hbm>>) dst(%dma_wait3A_70 : memref<32x128xf32, #tpu.memory_space<vmem>>)
        %ge3A = arith.constant 2 : i32
        %ge3A_74 = arith.cmpi sge, %add3A_51, %ge3A : i32
        %convert_element_type3A_75 = arith.extui %ge3A_74 : i1 to i32
        %cond3A_76 = arith.constant 0 : i32
        %cond3A_77 = arith.cmpi ne, %convert_element_type3A_75, %cond3A_76 : i32
        scf.if %cond3A_77 {
          %dma_wait3A_95 = arith.constant 0 : i32
          %dma_wait3A_96 = tpu.memref_slice %arg3[%dma_wait3A_95] : memref<32000000xf32, #tpu.memory_space<hbm>> -> memref<4096xf32, #tpu.memory_space<hbm>>
          %dma_wait3A_97 = arith.constant 0 : i32
          %dma_wait3A_98 = tpu.memref_slice %arg3[%dma_wait3A_97] : memref<32000000xf32, #tpu.memory_space<hbm>> -> memref<4096xf32, #tpu.memory_space<hbm>>
          tpu.wait_dma2 semaphore(%arg10 : memref<!tpu.dma_semaphore, #tpu.memory_space<semaphore_mem>>) src(%arg6 : memref<4096xf32, #tpu.memory_space<vmem>>) dst(%dma_wait3A_98 : memref<4096xf32, #tpu.memory_space<hbm>>)
        } else {
        }
        %parallel_loop3A = arith.constant 0 : i32
        %parallel_loop3A_78 = arith.constant 128 : i32
        %parallel_loop3A_79 = arith.constant 1 : i32
        scf.for %parallel_loop3A_95 = %parallel_loop3A to %parallel_loop3A_78 step %parallel_loop3A_79  : i32 {
          %parallel_loop3A_96 = vector.broadcast %parallel_loop3A_95 : i32 to vector<16xi32>
          %parallel_loop3A_97 = arith.addi %mul3A_7, %parallel_loop3A_96 : vector<16xi32>
          %parallel_loop3A_98 = arith.constant 0 : i32
          %parallel_loop3A_99 = vector.broadcast %parallel_loop3A_98 : i32 to vector<16xi32>
          %parallel_loop3A_100 = arith.addi %parallel_loop3A_99, %iota3A : vector<16xi32>
          %parallel_loop3A_101 = tpu.vector_load_idx %arg4[%parallel_loop3A_100, %parallel_loop3A_97] : memref<32x133xf32, #tpu.memory_space<vmem>>[vector<16xi32>, vector<16xi32>], vector<16xf32>,
          %parallel_loop3A_102 = arith.constant 32 : i32
          %parallel_loop3A_103 = arith.muli %parallel_loop3A_95, %parallel_loop3A_102 : i32
          %parallel_loop3A_104 = arith.constant 0 : i32
          %parallel_loop3A_105 = arith.addi %parallel_loop3A_103, %parallel_loop3A_104 : i32
          %parallel_loop3A_106 = arith.index_cast %parallel_loop3A_105 : i32 to index
          %parallel_loop3A_107 = tpu.vector_load %arg6[%parallel_loop3A_106] {strides = array<i32>} : memref<4096xf32, #tpu.memory_space<vmem>>, vector<16xf32>,
          tpu.vector_store %arg6[%parallel_loop3A_106], %parallel_loop3A_101 {strides = array<i32>} : memref<4096xf32, #tpu.memory_space<vmem>>, vector<16xf32>,
          %parallel_loop3A_108 = arith.constant 16 : i32
          %parallel_loop3A_109 = vector.broadcast %parallel_loop3A_108 : i32 to vector<16xi32>
          %parallel_loop3A_110 = arith.addi %parallel_loop3A_109, %iota3A : vector<16xi32>
          %parallel_loop3A_111 = tpu.vector_load_idx %arg4[%parallel_loop3A_110, %parallel_loop3A_97] : memref<32x133xf32, #tpu.memory_space<vmem>>[vector<16xi32>, vector<16xi32>], vector<16xf32>,
          %parallel_loop3A_112 = arith.constant 32 : i32
          %parallel_loop3A_113 = arith.muli %parallel_loop3A_95, %parallel_loop3A_112 : i32
          %parallel_loop3A_114 = arith.constant 16 : i32
          %parallel_loop3A_115 = arith.addi %parallel_loop3A_113, %parallel_loop3A_114 : i32
          %parallel_loop3A_116 = arith.index_cast %parallel_loop3A_115 : i32 to index
          %parallel_loop3A_117 = tpu.vector_load %arg6[%parallel_loop3A_116] {strides = array<i32>} : memref<4096xf32, #tpu.memory_space<vmem>>, vector<16xf32>,
          tpu.vector_store %arg6[%parallel_loop3A_116], %parallel_loop3A_111 {strides = array<i32>} : memref<4096xf32, #tpu.memory_space<vmem>>, vector<16xf32>,
        } {sc.loop_unroll_factor = 8 : i64, sc.parallel_access}
        %mul3A_80 = arith.constant 32 : i32
        %mul3A_81 = arith.muli %mul3A_80, %add3A_51 : i32
        %add3A_82 = arith.addi %add3A, %mul3A_81 : i32
        %mul3A_83 = arith.constant 128 : i32
        %mul3A_84 = arith.muli %add3A_82, %mul3A_83 : i32
        %mul3A_85 = arith.constant 32 : i32
        %mul3A_86 = arith.muli %mul3A_84, %mul3A_85 : i32
        %dma_start3A_87 = tpu.memref_slice %arg3[%mul3A_86] : memref<32000000xf32, #tpu.memory_space<hbm>> -> memref<4096xf32, #tpu.memory_space<hbm>>
        %dma_start3A_88 = tpu.memref_slice %arg3[%mul3A_86] : memref<32000000xf32, #tpu.memory_space<hbm>> -> memref<4096xf32, #tpu.memory_space<hbm>>
        tpu.enqueue_dma source(%arg6 : memref<4096xf32, #tpu.memory_space<vmem>>) target(%dma_start3A_88 : memref<4096xf32, #tpu.memory_space<hbm>>) target_semaphore(%arg10 : memref<!tpu.dma_semaphore, #tpu.memory_space<semaphore_mem>>)
        %add3A_89 = arith.constant 2 : i32
        %add3A_90 = arith.addi %add3A_51, %add3A_89 : i32
        %lt3A_91 = arith.cmpi slt, %add3A_90, %add3A_4 : i32
        %convert_element_type3A_92 = arith.extui %lt3A_91 : i1 to i32
        %cond3A_93 = arith.constant 0 : i32
        %cond3A_94 = arith.cmpi ne, %convert_element_type3A_92, %cond3A_93 : i32
        scf.if %cond3A_94 {
          %add3A_95 = arith.constant 2 : i32
          %add3A_96 = arith.addi %add3A_51, %add3A_95 : i32
          %mul3A_97 = arith.constant 32 : i32
          %mul3A_98 = arith.muli %mul3A_97, %add3A_96 : i32
          %add3A_99 = arith.addi %add3A, %mul3A_98 : i32
          %mul3A_100 = arith.constant 128 : i32
          %mul3A_101 = arith.muli %add3A_99, %mul3A_100 : i32
          %dma_start3A_102 = arith.constant 0 : i32
          %dma_start3A_103 = arith.constant 0 : i32
          %dma_start3A_104 = tpu.memref_slice %arg4[%dma_start3A_102, %dma_start3A_103] : memref<32x133xf32, #tpu.memory_space<vmem>> -> memref<32x128xf32, #tpu.memory_space<vmem>>
          %dma_start3A_105 = arith.constant 0 : i32
          %dma_start3A_106 = tpu.memref_slice %arg2[%dma_start3A_105, %mul3A_101] : memref<32x1000000xf32, #tpu.memory_space<hbm>> -> memref<32x128xf32, #tpu.memory_space<hbm>>
          %dma_start3A_107 = arith.constant 0 : i32
          %dma_start3A_108 = arith.constant 0 : i32
          %dma_start3A_109 = tpu.memref_slice %arg4[%dma_start3A_107, %dma_start3A_108] : memref<32x133xf32, #tpu.memory_space<vmem>> -> memref<32x128xf32, #tpu.memory_space<vmem>>
          %dma_start3A_110 = arith.constant 0 : i32
          %dma_start3A_111 = tpu.memref_slice %arg2[%dma_start3A_110, %mul3A_101] : memref<32x1000000xf32, #tpu.memory_space<hbm>> -> memref<32x128xf32, #tpu.memory_space<hbm>>
          tpu.enqueue_dma source(%dma_start3A_111 : memref<32x128xf32, #tpu.memory_space<hbm>>) target(%dma_start3A_109 : memref<32x128xf32, #tpu.memory_space<vmem>>) target_semaphore(%arg8 : memref<!tpu.dma_semaphore, #tpu.memory_space<semaphore_mem>>)
        } else {
        }
      } else {
      }
      %mul3A_54 = arith.constant 2 : i32
      %mul3A_55 = arith.muli %mul3A_54, %scan3A_47 : i32
      %add3A_56 = arith.constant 1 : i32
      %add3A_57 = arith.addi %mul3A_55, %add3A_56 : i32
      %lt3A_58 = arith.cmpi slt, %add3A_57, %add3A_4 : i32
      %convert_element_type3A_59 = arith.extui %lt3A_58 : i1 to i32
      %cond3A_60 = arith.constant 0 : i32
      %cond3A_61 = arith.cmpi ne, %convert_element_type3A_59, %cond3A_60 : i32
      scf.if %cond3A_61 {
        %dma_wait3A_62 = arith.constant 0 : i32
        %dma_wait3A_63 = arith.constant 0 : i32
        %dma_wait3A_64 = tpu.memref_slice %arg5[%dma_wait3A_62, %dma_wait3A_63] : memref<32x133xf32, #tpu.memory_space<vmem>> -> memref<32x128xf32, #tpu.memory_space<vmem>>
        %dma_wait3A_65 = arith.constant 0 : i32
        %dma_wait3A_66 = arith.constant 0 : i32
        %dma_wait3A_67 = tpu.memref_slice %arg2[%dma_wait3A_65, %dma_wait3A_66] : memref<32x1000000xf32, #tpu.memory_space<hbm>> -> memref<32x128xf32, #tpu.memory_space<hbm>>
        %dma_wait3A_68 = arith.constant 0 : i32
        %dma_wait3A_69 = arith.constant 0 : i32
        %dma_wait3A_70 = tpu.memref_slice %arg5[%dma_wait3A_68, %dma_wait3A_69] : memref<32x133xf32, #tpu.memory_space<vmem>> -> memref<32x128xf32, #tpu.memory_space<vmem>>
        %dma_wait3A_71 = arith.constant 0 : i32
        %dma_wait3A_72 = arith.constant 0 : i32
        %dma_wait3A_73 = tpu.memref_slice %arg2[%dma_wait3A_71, %dma_wait3A_72] : memref<32x1000000xf32, #tpu.memory_space<hbm>> -> memref<32x128xf32, #tpu.memory_space<hbm>>
        tpu.wait_dma2 semaphore(%arg9 : memref<!tpu.dma_semaphore, #tpu.memory_space<semaphore_mem>>) src(%dma_wait3A_73 : memref<32x128xf32, #tpu.memory_space<hbm>>) dst(%dma_wait3A_70 : memref<32x128xf32, #tpu.memory_space<vmem>>)
        %ge3A = arith.constant 2 : i32
        %ge3A_74 = arith.cmpi sge, %add3A_57, %ge3A : i32
        %convert_element_type3A_75 = arith.extui %ge3A_74 : i1 to i32
        %cond3A_76 = arith.constant 0 : i32
        %cond3A_77 = arith.cmpi ne, %convert_element_type3A_75, %cond3A_76 : i32
        scf.if %cond3A_77 {
          %dma_wait3A_95 = arith.constant 0 : i32
          %dma_wait3A_96 = tpu.memref_slice %arg3[%dma_wait3A_95] : memref<32000000xf32, #tpu.memory_space<hbm>> -> memref<4096xf32, #tpu.memory_space<hbm>>
          %dma_wait3A_97 = arith.constant 0 : i32
          %dma_wait3A_98 = tpu.memref_slice %arg3[%dma_wait3A_97] : memref<32000000xf32, #tpu.memory_space<hbm>> -> memref<4096xf32, #tpu.memory_space<hbm>>
          tpu.wait_dma2 semaphore(%arg11 : memref<!tpu.dma_semaphore, #tpu.memory_space<semaphore_mem>>) src(%arg7 : memref<4096xf32, #tpu.memory_space<vmem>>) dst(%dma_wait3A_98 : memref<4096xf32, #tpu.memory_space<hbm>>)
        } else {
        }
        %parallel_loop3A = arith.constant 0 : i32
        %parallel_loop3A_78 = arith.constant 128 : i32
        %parallel_loop3A_79 = arith.constant 1 : i32
        scf.for %parallel_loop3A_95 = %parallel_loop3A to %parallel_loop3A_78 step %parallel_loop3A_79  : i32 {
          %parallel_loop3A_96 = vector.broadcast %parallel_loop3A_95 : i32 to vector<16xi32>
          %parallel_loop3A_97 = arith.addi %mul3A_7, %parallel_loop3A_96 : vector<16xi32>
          %parallel_loop3A_98 = arith.constant 0 : i32
          %parallel_loop3A_99 = vector.broadcast %parallel_loop3A_98 : i32 to vector<16xi32>
          %parallel_loop3A_100 = arith.addi %parallel_loop3A_99, %iota3A : vector<16xi32>
          %parallel_loop3A_101 = tpu.vector_load_idx %arg5[%parallel_loop3A_100, %parallel_loop3A_97] : memref<32x133xf32, #tpu.memory_space<vmem>>[vector<16xi32>, vector<16xi32>], vector<16xf32>,
          %parallel_loop3A_102 = arith.constant 32 : i32
          %parallel_loop3A_103 = arith.muli %parallel_loop3A_95, %parallel_loop3A_102 : i32
          %parallel_loop3A_104 = arith.constant 0 : i32
          %parallel_loop3A_105 = arith.addi %parallel_loop3A_103, %parallel_loop3A_104 : i32
          %parallel_loop3A_106 = arith.index_cast %parallel_loop3A_105 : i32 to index
          %parallel_loop3A_107 = tpu.vector_load %arg7[%parallel_loop3A_106] {strides = array<i32>} : memref<4096xf32, #tpu.memory_space<vmem>>, vector<16xf32>,
          tpu.vector_store %arg7[%parallel_loop3A_106], %parallel_loop3A_101 {strides = array<i32>} : memref<4096xf32, #tpu.memory_space<vmem>>, vector<16xf32>,
          %parallel_loop3A_108 = arith.constant 16 : i32
          %parallel_loop3A_109 = vector.broadcast %parallel_loop3A_108 : i32 to vector<16xi32>
          %parallel_loop3A_110 = arith.addi %parallel_loop3A_109, %iota3A : vector<16xi32>
          %parallel_loop3A_111 = tpu.vector_load_idx %arg5[%parallel_loop3A_110, %parallel_loop3A_97] : memref<32x133xf32, #tpu.memory_space<vmem>>[vector<16xi32>, vector<16xi32>], vector<16xf32>,
          %parallel_loop3A_112 = arith.constant 32 : i32
          %parallel_loop3A_113 = arith.muli %parallel_loop3A_95, %parallel_loop3A_112 : i32
          %parallel_loop3A_114 = arith.constant 16 : i32
          %parallel_loop3A_115 = arith.addi %parallel_loop3A_113, %parallel_loop3A_114 : i32
          %parallel_loop3A_116 = arith.index_cast %parallel_loop3A_115 : i32 to index
          %parallel_loop3A_117 = tpu.vector_load %arg7[%parallel_loop3A_116] {strides = array<i32>} : memref<4096xf32, #tpu.memory_space<vmem>>, vector<16xf32>,
          tpu.vector_store %arg7[%parallel_loop3A_116], %parallel_loop3A_111 {strides = array<i32>} : memref<4096xf32, #tpu.memory_space<vmem>>, vector<16xf32>,
        } {sc.loop_unroll_factor = 8 : i64, sc.parallel_access}
        %mul3A_80 = arith.constant 32 : i32
        %mul3A_81 = arith.muli %mul3A_80, %add3A_57 : i32
        %add3A_82 = arith.addi %add3A, %mul3A_81 : i32
        %mul3A_83 = arith.constant 128 : i32
        %mul3A_84 = arith.muli %add3A_82, %mul3A_83 : i32
        %mul3A_85 = arith.constant 32 : i32
        %mul3A_86 = arith.muli %mul3A_84, %mul3A_85 : i32
        %dma_start3A_87 = tpu.memref_slice %arg3[%mul3A_86] : memref<32000000xf32, #tpu.memory_space<hbm>> -> memref<4096xf32, #tpu.memory_space<hbm>>
        %dma_start3A_88 = tpu.memref_slice %arg3[%mul3A_86] : memref<32000000xf32, #tpu.memory_space<hbm>> -> memref<4096xf32, #tpu.memory_space<hbm>>
        tpu.enqueue_dma source(%arg7 : memref<4096xf32, #tpu.memory_space<vmem>>) target(%dma_start3A_88 : memref<4096xf32, #tpu.memory_space<hbm>>) target_semaphore(%arg11 : memref<!tpu.dma_semaphore, #tpu.memory_space<semaphore_mem>>)
        %add3A_89 = arith.constant 2 : i32
        %add3A_90 = arith.addi %add3A_57, %add3A_89 : i32
        %lt3A_91 = arith.cmpi slt, %add3A_90, %add3A_4 : i32
        %convert_element_type3A_92 = arith.extui %lt3A_91 : i1 to i32
        %cond3A_93 = arith.constant 0 : i32
        %cond3A_94 = arith.cmpi ne, %convert_element_type3A_92, %cond3A_93 : i32
        scf.if %cond3A_94 {
          %add3A_95 = arith.constant 2 : i32
          %add3A_96 = arith.addi %add3A_57, %add3A_95 : i32
          %mul3A_97 = arith.constant 32 : i32
          %mul3A_98 = arith.muli %mul3A_97, %add3A_96 : i32
          %add3A_99 = arith.addi %add3A, %mul3A_98 : i32
          %mul3A_100 = arith.constant 128 : i32
          %mul3A_101 = arith.muli %add3A_99, %mul3A_100 : i32
          %dma_start3A_102 = arith.constant 0 : i32
          %dma_start3A_103 = arith.constant 0 : i32
          %dma_start3A_104 = tpu.memref_slice %arg5[%dma_start3A_102, %dma_start3A_103] : memref<32x133xf32, #tpu.memory_space<vmem>> -> memref<32x128xf32, #tpu.memory_space<vmem>>
          %dma_start3A_105 = arith.constant 0 : i32
          %dma_start3A_106 = tpu.memref_slice %arg2[%dma_start3A_105, %mul3A_101] : memref<32x1000000xf32, #tpu.memory_space<hbm>> -> memref<32x128xf32, #tpu.memory_space<hbm>>
          %dma_start3A_107 = arith.constant 0 : i32
          %dma_start3A_108 = arith.constant 0 : i32
          %dma_start3A_109 = tpu.memref_slice %arg5[%dma_start3A_107, %dma_start3A_108] : memref<32x133xf32, #tpu.memory_space<vmem>> -> memref<32x128xf32, #tpu.memory_space<vmem>>
          %dma_start3A_110 = arith.constant 0 : i32
          %dma_start3A_111 = tpu.memref_slice %arg2[%dma_start3A_110, %mul3A_101] : memref<32x1000000xf32, #tpu.memory_space<hbm>> -> memref<32x128xf32, #tpu.memory_space<hbm>>
          tpu.enqueue_dma source(%dma_start3A_111 : memref<32x128xf32, #tpu.memory_space<hbm>>) target(%dma_start3A_109 : memref<32x128xf32, #tpu.memory_space<vmem>>) target_semaphore(%arg9 : memref<!tpu.dma_semaphore, #tpu.memory_space<semaphore_mem>>)
        } else {
        }
      } else {
      }
    }
    %scan3A_39 = arith.constant 123 : i32
    %dma_wait3A = arith.constant 0 : i32
    %dma_wait3A_40 = tpu.memref_slice %arg3[%dma_wait3A] : memref<32000000xf32, #tpu.memory_space<hbm>> -> memref<4096xf32, #tpu.memory_space<hbm>>
    %dma_wait3A_41 = arith.constant 0 : i32
    %dma_wait3A_42 = tpu.memref_slice %arg3[%dma_wait3A_41] : memref<32000000xf32, #tpu.memory_space<hbm>> -> memref<4096xf32, #tpu.memory_space<hbm>>
    tpu.wait_dma2 semaphore(%arg10 : memref<!tpu.dma_semaphore, #tpu.memory_space<semaphore_mem>>) src(%arg6 : memref<4096xf32, #tpu.memory_space<vmem>>) dst(%dma_wait3A_42 : memref<4096xf32, #tpu.memory_space<hbm>>)
    %dma_wait3A_43 = arith.constant 0 : i32
    %dma_wait3A_44 = tpu.memref_slice %arg3[%dma_wait3A_43] : memref<32000000xf32, #tpu.memory_space<hbm>> -> memref<4096xf32, #tpu.memory_space<hbm>>
    %dma_wait3A_45 = arith.constant 0 : i32
    %dma_wait3A_46 = tpu.memref_slice %arg3[%dma_wait3A_45] : memref<32000000xf32, #tpu.memory_space<hbm>> -> memref<4096xf32, #tpu.memory_space<hbm>>
    tpu.wait_dma2 semaphore(%arg11 : memref<!tpu.dma_semaphore, #tpu.memory_space<semaphore_mem>>) src(%arg7 : memref<4096xf32, #tpu.memory_space<vmem>>) dst(%dma_wait3A_46 : memref<4096xf32, #tpu.memory_space<hbm>>)
    return
  }
}

</mosaic_0001>

<sc_bundles>
// kernel: _sc_table_transpose.3.cloned.1.call-start
scs
__scs_entry_jumppad:
0x0: {  	(pc) =	sbr.rel $0x88, $3  }
0x1: {  	(tag) =	ssettag $0x0;
	lr =	simm.s32 $0x1  }
0x2: {  	[smem:$0x3FA0] =	sst lr;
	_ =	strace $0xD0000000  }
0x3: {  	_ = 	snop  }
0x4: {  	_ = 	snop  }
0x5: {  	_ = 	snop  }
0x6: {  	_ = 	snop  }
0x7: {  	_ = 	snop  }
__scs_overlays_trampoline_lowered:
0x8: {  	[smem:$0x3FAF] =	sst s0  }
0x9: {  	[smem:$0x3FB0] =	sst s1  }
0xa: {  	[smem:$0x3FB1] =	sst s2  }
0xb: {  	[smem:$0x3FB2] =	sst s3  }
0xc: {  	[smem:$0x3FB3] =	sst s4  }
0xd: {  	[smem:$0x3FB4] =	sst s5  }
0xe: {  	[smem:$0x3FB5] =	sst s6  }
0xf: {  	[smem:$0x3FB6] =	sst s7  }
0x10: {  	[smem:$0x3FB7] =	sst s8  }
0x11: {  	[smem:$0x3FB8] =	sst s9;
	s0 =	simm.s32 @!p0 $0x0  }
0x12: {  	s1 =	sld [smem:$0x3F9E];
	s0 =	simm.s32 @p0 $0x1  }
0x13: {  	[smem:$0x3FB9] =	sst s0;
	s0 =	simm.s32 @!p1 $0x0  }
0x14: {  	s2 =	sld [smem:$0x3F9D];
	s0 =	simm.s32 @p1 $0x1  }
0x15: {  	[smem:$0x3FBA] =	sst s0;
	s0 =	simm.s32 @!p2 $0x0  }
0x16: {  	s3 =	sld [smem:$0x3FDB];
	s0 =	simm.s32 @p2 $0x1  }
0x17: {  	s4 =	simm.s32 $0x1BF5;
	[smem:$0x3FBC] =	sst s0  }
0x18: {  	s0 =	sld [smem:$0x3F9F];
	_ =	swait.ge [sflag:s4], $0x0  }
0x19: {  	s7 =	sld [smem:$0x3FA0]  }
0x1a: {  	s8 =	sadd.s32 $0xFFFFE003, lr  }
0x1b: {  	s9 =	sadd.s32 $0xFFFFFEF7, lr;
	s5 =	simm.s32 $0xFFFFFFFF;
	p2 =	slt.u32 s8, $0xFFFFF086  }
0x1c: {  	p1 =	slt.u32 s9, $0xF7A;
	s5 =	simm.s32 @!p2 $0x0  }
0x1d: {  	s5 =	simm.s32 @p1 $0x1;
	p0 =	seq.s32 s7, s2  }
0x1e: {  	s7 =	smul.u32 @!p0 $0xF7A, s2;
	p2 =	seq.s32 @!p0 s5, $0x0  }
0x1f: {  	s9 =	smul.u32 $0xF7A, s1;
	s8 =	simm.s32 @!p0 $0x1BF5;
	p2 =	por !p2, p0  }
0x20: {  	[sflag:s8] =	ssyncset.s32 @!p0 $0xFFFFF086;
	s6 =	sadd.s32 @!p0 s3, s7;
	s7 =	simm.s32 @!p0 $0x108  }
0x21: {  	s3 =	sadd.s32 s3, s9;
	s6 =	sadd.s32 @!p0 $0x88, s6;
	s7 =	simm.s32 @p2 $0x1082  }
0x22: {  	[simem:s7], [sflag:s8] =	dma.local @!p0 [hbm:s6], $0xF7A  }
0x23: {  	s9 =	sor.u32 $0xD0000000, s2;
	s6 =	simm.s32 $0x108;
	_ =	swait.ge @!p0 [sflag:s8], $0x0  }
0x24: {  	s3 =	sadd.s32 $0x88, s3;
	s6 =	simm.s32 @!p1 $0x1082;
	[sflag:s4] =	ssyncset.s32 $0xFFFFF086  }
0x25: {  	[simem:s6], [sflag:s4] =	dma.local [hbm:s3], $0xF7A  }
0x26: {  	[smem:$0x3FA0] =	sst s1;
	(tag) =	ssettag s2;
	_ =	strace s9  }
0x27: {  	s1 =	sld [smem:$0x3FB0]  }
0x28: {  	s2 =	sld [smem:$0x3FB1]  }
0x29: {  	s4 =	sld [smem:$0x3FB3]  }
0x2a: {  	p0 =	seq.s32 s5, $0x0;
	s5 =	sld [smem:$0x3FB4]  }
0x2b: {  	s6 =	sld [smem:$0x3FB5]  }
0x2c: {  	s7 =	sld [smem:$0x3FB6]  }
0x2d: {  	s3 =	simm.s32 $0x108;
	s8 =	sld [smem:$0x3FB7]  }
0x2e: {  	s3 =	simm.s32 @!p0 $0x1082;
	s9 =	sld [smem:$0x3FB8]  }
0x2f: {  	lr =	sadd.s32 s0, s3;
	s0 =	sld [smem:$0x3FAF]  }
0x30: {  	s3 =	sld [smem:$0x3FB2]  }
0x31: {  	[smem:$0x3FBB] =	sst s10  }
0x32: {  	s10 =	sld [smem:$0x3FB9];
	_ =	sdelay $0x3  }
0x33: {  	p0 =	seq.s32 s10, $0x1;
	s10 =	sld [smem:$0x3FBB];
	_ =	sdelay $0x3  }
0x34: {  	[smem:$0x3FBB] =	sst s10  }
0x35: {  	s10 =	sld [smem:$0x3FBA];
	_ =	sdelay $0x3  }
0x36: {  	p1 =	seq.s32 s10, $0x1;
	s10 =	sld [smem:$0x3FBB];
	_ =	sdelay $0x3  }
0x37: {  	[smem:$0x3FBB] =	sst s10  }
0x38: {  	s10 =	sld [smem:$0x3FBC]  }
0x39: {  	_ = 	snop;
	(pc) =	sbr.ind lr, $3  }
0x3a: {  	_ = 	snop  }
0x3b: {  	_ = 	snop  }
0x3c: {  	p2 =	seq.s32 s10, $0x1;
	s10 =	sld [smem:$0x3FBB]  }
0x3d: {  	_ =	shalt  }
0x3e: {  	_ =	shalt  }
0x3f: {  	_ =	shalt  }
0x40: {  	_ =	shalt  }
0x41: {  	_ =	shalt  }
0x42: {  	_ =	shalt  }
0x43: {  	_ =	shalt  }
0x44: {  	_ =	shalt  }
0x45: {  	_ =	shalt  }
0x46: {  	_ =	shalt  }
0x47: {  	_ =	shalt  }
0x48: {  	_ =	shalt  }
0x49: {  	_ =	shalt  }
0x4a: {  	_ =	shalt  }
0x4b: {  	_ =	shalt  }
0x4c: {  	_ =	shalt  }
0x4d: {  	_ =	shalt  }
0x4e: {  	_ =	shalt  }
0x4f: {  	_ =	shalt  }
0x50: {  	_ =	shalt  }
0x51: {  	_ =	shalt  }
0x52: {  	_ =	shalt  }
0x53: {  	_ =	shalt  }
0x54: {  	_ =	shalt  }
0x55: {  	_ =	shalt  }
0x56: {  	_ =	shalt  }
0x57: {  	_ =	shalt  }
0x58: {  	_ =	shalt  }
0x59: {  	_ =	shalt  }
0x5a: {  	_ =	shalt  }
0x5b: {  	_ =	shalt  }
0x5c: {  	_ =	shalt  }
0x5d: {  	_ =	shalt  }
0x5e: {  	_ =	shalt  }
0x5f: {  	_ =	shalt  }
0x60: {  	_ =	shalt  }
0x61: {  	_ =	shalt  }
0x62: {  	_ =	shalt  }
0x63: {  	_ =	shalt  }
0x64: {  	_ =	shalt  }
0x65: {  	_ =	shalt  }
0x66: {  	_ =	shalt  }
0x67: {  	_ =	shalt  }
0x68: {  	_ =	shalt  }
0x69: {  	_ =	shalt  }
0x6a: {  	_ =	shalt  }
0x6b: {  	_ =	shalt  }
0x6c: {  	_ =	shalt  }
0x6d: {  	_ =	shalt  }
0x6e: {  	_ =	shalt  }
0x6f: {  	_ =	shalt  }
0x70: {  	_ =	shalt  }
0x71: {  	_ =	shalt  }
0x72: {  	_ =	shalt  }
0x73: {  	_ =	shalt  }
0x74: {  	_ =	shalt  }
0x75: {  	_ =	shalt  }
0x76: {  	_ =	shalt  }
0x77: {  	_ =	shalt  }
0x78: {  	_ =	shalt  }
0x79: {  	_ =	shalt  }
0x7a: {  	_ =	shalt  }
0x7b: {  	_ =	shalt  }
0x7c: {  	_ =	shalt  }
0x7d: {  	_ =	shalt  }
0x7e: {  	_ =	shalt  }
0x7f: {  	_ =	shalt  }
0x80: {  	_ =	shalt  }
0x81: {  	_ =	shalt  }
0x82: {  	_ =	shalt  }
0x83: {  	_ =	shalt  }
0x84: {  	_ =	shalt  }
0x85: {  	_ =	shalt  }
0x86: {  	_ =	shalt  }
0x87: {  	_ =	shalt  }
.Lfunc_end0:
.L_simem_size_0:
called_computation_lowered:
.L_overlay_start_0:
0x88: {  	s2 =	sld [smem:$0x3FD9]  }
0x89: {  	s3 =	sld [smem:$0x3FFE];
	_ =	sdelay $0x1  }
0x8a: {  	s1 =	srdreg.scid  }
0x8b: {  	s0 =	sand.u32 $0x1, s1  }
0x8c: {  	s18 =	sshll.u32 s0, $0xA;
	s2 =	sadd.s32 s3, s2  }
0x8d: {  	s2 =	sadd.s32 s2, s18  }
0x8e: {  	[smem:$0x3FC7] =	sst s2  }
0x8f: {  	_ = 	snop  }
0x90: {  	s2 =	sld [smem:$0x3FC9]  }
0x91: {  	s19 =	sld [smem:$0x3FD0];
	(tm) =	ssettm $0x1  }
0x92: {  	s4 =	sld [smem:$0x3FFB];
	_ =	sdelay $0x3  }
0x93: {  	_ =	strace s4  }
0x94: {  	s4 =	sld [smem:$0x3FFC];
	_ =	sdelay $0x3  }
0x95: {  	_ =	strace s4  }
0x96: {  	s4 =	sld [smem:$0x3FFD];
	_ =	sdelay $0x3  }
0x97: {  	_ =	strace s4  }
0x98: {  	_ =	strace $0x8FFFFFFF  }
0x99: {  	s20 =	sld [smem:$0x3FDB];
	_ =	sdelay $0x1  }
0x9a: {  	s5 =	simm.s32 $_scs_section_size  }
0x9b: {  	s6 =	simm.s32 $_size__tile_overlayer_lowered;
	s7 =	simm.s32 $_tile_overlayer_lowered  }
0x9c: {  	s23 =	simm.s32 $0x1BFF;
	s22 =	sshll.u32 s7, $0x1;
	s4 =	sadd.s32 s5, s20  }
0x9d: {  	s8 =	simm.s32 $0x0;
	s21 =	sshll.u32 s6, $0x1;
	s6 =	sadd.s32 s22, s4  }
0x9e: {  	[timem:s8], [sflag:s23] =	dma.local [hbm:s6], s21  }
0x9f: {  	_ =	swait.ge [sflag:s23], s21  }
0xa0: {  	s5 =	ssub.s32 $0x0, s21;
	[sflag:s23] =	ssyncset.done $0x0  }
0xa1: {  	[sflag:s23] =	ssyncadd.s32 s5;
	_ =	sdelay $0x1  }
0xa2: {  	s24 =	simm.s32 $0x1B8B  }
0xa3: {  	_ =	swait.ge [sflag:s24], $0x1  }
0xa4: {  	[sflag:s24] =	ssyncset.done $0x0  }
0xa5: {  	s25 =	simm.s32 $0x1B8E;
	[sflag:s24] =	ssyncadd.s32 $0xFFFFFFFF  }
0xa6: {  	s26 =	simm.s32 $execute0_lowered;
	[smem:$0x3FD2] =	sst s25  }
0xa7: {  	s5 =	sshll.u32 s26, $0x1;
	_ =	strace $0x80000046;
	[dreg:$0x1] =	wrdreg $0xFFFFFFFF  }
0xa8: {  	s28 =	simm.s32 $_size_execute0_lowered;
	s4 =	sadd.s32 s4, s5;
	[dreg:$0x0] =	wrdreg $0x0  }
0xa9: {  	s5 =	sshll.u32 s28, $0x1;
	[dreg:$0x2] =	wrdreg s4  }
0xaa: {  	[dreg:$0x3] =	wrdreg s5  }
0xab: {  	[dreg:$0x4] =	wrdreg $0xC0  }
0xac: {  	_ =	task [dreg:s8], $0x5FFFF  }
0xad: {  	[dreg:$0x1] =	wrdreg $0xFFFFFFFF  }
0xae: {  	[dreg:$0x0] =	wrdreg $0x60  }
0xaf: {  	[dreg:$0x2] =	wrdreg s2  }
0xb0: {  	[dreg:$0x3] =	wrdreg s19  }
0xb1: {  	[dreg:$0x4] =	wrdreg $0x9  }
0xb2: {  	_ =	task.clear_ibuf [dreg:s8], $0x5FFFF;
	_ =	strace $0x90000046  }
0xb3: {  	s29 =	simm.s32 $0x9;
	_ =	strace $0x80000048  }
0xb4: {  	_ =	swait.ge [sflag:s29], $0x1  }
0xb5: {  	[sflag:s29] =	ssyncadd.s32 $0xFFFFFFFF  }
0xb6: {  	_ =	strace $0x90000048  }
0xb7: {  	_ =	sfence  }
0xb8: {  	s30 =	sld [smem:$0x0];
	_ =	sdelay $0x2  }
0xb9: {  	s31 =	sshll.u32 s1, $0xD;
	s1 =	sshrl.u32 s1, $0x2  }
0xba: {  	s3 =	sand.u32 $0x4000, s31;
	s1 =	sadd.s32 s1, s30  }
0xbb: {  	s0 =	sor.u32 s3, s0;
	s1 =	sshll.u32 s1, $0x11  }
0xbc: {  	s0 =	sor.u32 s1, s0  }
0xbd: {  	s0 =	sadd.s32 $0x8F2B, s0  }
0xbe: {  	[sflag:s0] =	ssyncadd.remote.s32 $0x1  }
0xbf: {  	_ =	sfence.sel $0xFFFF  }
0xc0: {  	[dreg:$0x0] =	wrdreg $0xFFFFFFFF;
	(pc) =	sbr.abs _section_cstart, $3  }
0xc1: {  	[dreg:$0x1] =	wrdreg $0xFFFFFFFF  }
0xc2: {  	_ =	task.clear_ibuf [dreg:s8], $0x2FFFF;
	_ =	strace $0x9FFFFFFF  }
0xc3: {  	(tm) =	ssettm $0x7FFFFFFF  }
tec
execute0_lowered:
.L_overlay_start_1:
0x0: {  	(tag) =	ssettag $0x1  }
0x1: {  	s0 =	rddreg [dreg:$0x0];
	v0 =	vimm.s32 $0xB80;
	vm0 =	vcmask $0x300;
	v1 =	vimm.s32 $0x1B80  }
0x2: {  	s1 =	rddreg [dreg:$0x1];
	vm1 =	vcmask $0x704;
	v0 =	vsel vm0, $0x0, v0;
	v1 =	vsel vm0, $0x1000, v1  }
0x3: {  	s2 =	srdreg.scid;
	s7 =	stileid.u32;
	vm15 =	vcmask $0xB08;
	s17 =	simm.s32 $0x2000;
	v0 =	vsel vm1, $0x80, v0;
	v1 =	vsel vm1, $0x1080, v1  }
0x4: {  	vm4 =	vcmask $0xF0C;
	s21 =	simm.s32 $0x1;
	s3 =	sand.u32 $0x1, s2;
	s4 =	sshll.u32 s7, $0x1;
	v0 =	vsel vm15, $0x100, v0;
	v1 =	vsel vm15, $0x1100, v1  }
0x5: {  	vm5 =	vcmask $0x1310;
	s28 =	simm.s32 $0x0;
	s2 =	simm.s32 $0x0;
	s6 =	sor.u32 s3, s4;
	v0 =	vsel vm4, $0x180, v0;
	v1 =	vsel vm4, $0x1180, v1  }
0x6: {  	vm6 =	vcmask $0x1714;
	p0 =	slt.u32 s7, $0x2;
	[smem:$0x7FF] =	sst s2;
	s4 =	sshll.u32 s6, $0x7;
	v0 =	vsel vm5, $0x200, v0;
	v1 =	vsel vm5, $0x1200, v1  }
0x7: {  	vm7 =	vcmask $0x1B18;
	s5 =	ssub.s32 $0x2, s3;
	_ =	strace $0x80000047;
	s3 =	sadd.s32 s0, s4;
	v0 =	vsel vm6, $0x280, v0;
	v1 =	vsel vm6, $0x1280, v1  }
0x8: {  	vm8 =	vcmask $0x1F1C;
	s22 =	sshrl.u32 s5, $0x1;
	s23 =	sshll.u32 s6, $0x9;
	s0 =	sadd.s32 $0x1E8500, s3;
	v0 =	vsel vm7, $0x300, v0;
	v1 =	vsel vm7, $0x1300, v1  }
0x9: {  	vm9 =	vcmask $0x2320;
	s5 =	ssub.s32 s5, s22;
	s24 =	sadd.s32 $0x2DC780, s3;
	[dreg:$0x3] =	wrdreg s0;
	v0 =	vsel vm8, $0x380, v0;
	v1 =	vsel vm8, $0x1380, v1  }
0xa: {  	vm10 =	vcmask $0x2724;
	s4 =	simm.s32 $0xF5;
	s25 =	sadd.s32 $0x1000, s3;
	[dreg:$0x4] =	wrdreg s24;
	v0 =	vsel vm9, $0x800, v0;
	v1 =	vsel vm9, $0x1800, v1  }
0xb: {  	vm11 =	vcmask $0x2B28;
	s8 =	sadd.s32 s1, s23;
	s26 =	sadd.s32 $0x1E9500, s3;
	[dreg:$0x5] =	wrdreg s25;
	v0 =	vsel vm10, $0x880, v0;
	v1 =	vsel vm10, $0x1880, v1  }
.Ltmp0:
0xc: {  	vm12 =	vcmask $0x2F2C;
	s29 =	smax.u32 s5, $0x1;
	[dreg:$0x6] =	wrdreg s26;
	v0 =	vsel vm11, $0x900, v0;
	v1 =	vsel vm11, $0x1900, v1;
	(pc) =	sbr.rel .LBB2_1-.Ltmp0, $4  }
0xd: {  	vm13 =	vcmask $0x3330;
	s22 =	simm.s32 $0x4000;
	s30 =	sadd.s32 $0xF4280, s3;
	[dreg:$0x7] =	wrdreg s29;
	v0 =	vsel vm12, $0x980, v0;
	v1 =	vsel vm12, $0x1980, v1  }
0xe: {  	vm14 =	vcmask $0x3734;
	s23 =	simm.s32 $0x2;
	s31 =	sadd.s32 $0x2DD780, s3;
	[dreg:$0x8] =	wrdreg s30;
	v0 =	vsel vm13, $0xA00, v0;
	v1 =	vsel vm13, $0x1A00, v1  }
0xf: {  	vm15 =	vcmask $0x3B38;
	s4 =	simm.s32 @!p0 $0xF4;
	s13 =	sadd.s32 $0xF5280, s3;
	[dreg:$0x9] =	wrdreg s31;
	v0 =	vsel vm14, $0xA80, v0;
	v1 =	vsel vm14, $0x1A80, v1  }
0x10: {  	s24 =	simm.s32 $0x5000;
	s25 =	simm.s32 $0x3;
	s26 =	simm.s32 $0x4;
	v0 =	vsel vm15, $0xB00, v0;
	v1 =	vsel vm15, $0x1B00, v1  }
.LBB2_11:
0x11: {  	_ =	swait.ge [sflag:s25], $0x1000  }
0x12: {  	[sflag:s25] =	ssyncset.done $0x0  }
0x13: {  	[sflag:s25] =	ssyncadd.s32 $0xFFFFF000  }
0x14: {  	_ =	swait.ge [sflag:s26], $0x1000  }
0x15: {  	s28 =	sadd.s32 $0x1, s28;
	s0 =	rddreg [dreg:$0x7]  }
0x16: {  	p0 =	sne.s32 s28, s0  }
.Ltmp1:
0x17: {  	_ = 	snop;
	(pc) =	sbr.rel @!p0 .LBB2_12-.Ltmp1, $3  }
0x18: {  	_ =	sdelay $0x1  }
0x19: {  	[sflag:s26] =	ssyncset.done $0x0  }
0x1a: {  	[sflag:s26] =	ssyncadd.s32 $0xFFFFF000  }
.LBB2_1:
0x1b: {  	[tilespmem:s2], [sflag:$0x1] =	stream.linear.gather [hbm4b:s3+s2], $0x400, $0x38;
	[tilespmem:$0x6000] =	vst v63  }
0x1c: {  	s0 =	rddreg [dreg:$0x8];
	s1 =	simm.s32 $0x800  }
0x1d: {  	[tilespmem:s1], [sflag:$0x1] =	stream.linear.gather [hbm4b:s0+s2], $0x400, $0x38;
	[tilespmem:$0x6000] =	vst v63  }
0x1e: {  	s11 =	rddreg [dreg:$0x3];
	s12 =	simm.s32 $0x1000  }
0x1f: {  	[tilespmem:s12], [sflag:$0x1] =	stream.linear.gather [hbm4b:s11+s2], $0x400, $0x38;
	[tilespmem:$0x6000] =	vst v63  }
0x20: {  	s14 =	rddreg [dreg:$0x4];
	s15 =	simm.s32 $0x1800  }
0x21: {  	[tilespmem:s15], [sflag:$0x1] =	stream.linear.gather [hbm4b:s14+s2], $0x400, $0x38;
	[tilespmem:$0x6000] =	vst v63  }
0x22: {  	s16 =	rddreg [dreg:$0x5]  }
0x23: {  	[tilespmem:s17], [sflag:$0x2] =	stream.linear.gather [hbm4b:s16+s2], $0x400, $0x38;
	[tilespmem:$0x6000] =	vst v63  }
0x24: {  	s18 =	simm.s32 $0x2800  }
0x25: {  	[tilespmem:s18], [sflag:$0x2] =	stream.linear.gather [hbm4b:s13+s2], $0x400, $0x38;
	[tilespmem:$0x6000] =	vst v63  }
.Ltmp2:
0x26: {  	_ = 	snop;
	(pc) =	sbr.rel .LBB2_2-.Ltmp2, $4  }
0x27: {  	s19 =	rddreg [dreg:$0x6];
	s20 =	simm.s32 $0x3000  }
0x28: {  	[tilespmem:s20], [sflag:$0x2] =	stream.linear.gather [hbm4b:s19+s2], $0x400, $0x38;
	[tilespmem:$0x6000] =	vst v63  }
0x29: {  	s30 =	rddreg [dreg:$0x9];
	s31 =	simm.s32 $0x3800;
	s29 =	simm.s32 $0x0  }
0x2a: {  	[tilespmem:s31], [sflag:$0x2] =	stream.linear.gather [hbm4b:s30+s2], $0x400, $0x38;
	[tilespmem:$0x6000] =	vst v63  }
.LBB2_10:
0x2b: {  	s29 =	sadd.s32 $0x1, s29  }
0x2c: {  	p0 =	sne.s32 s29, $0x7B  }
.Ltmp3:
0x2d: {  	_ = 	snop;
	(pc) =	sbr.rel @!p0 .LBB2_11-.Ltmp3, $1  }
0x2e: {  	_ =	sdelay $0x3  }
.LBB2_2:
0x2f: {  	s30 =	sshll.u32 s29, $0x1  }
0x30: {  	p1 =	sge.u32 s30, s4  }
.Ltmp4:
0x31: {  	_ = 	snop;
	(pc) =	sbr.rel @p1 .LBB2_6-.Ltmp4, $2  }
0x32: {  	_ =	sdelay $0x2  }
0x33: {  	p0 =	seq.s32 s29, $0x0  }
0x34: {  	_ =	swait.ge [sflag:s21], $0x1000;
	s1 =	simm.s32 $0x0  }
0x35: {  	s0 =	simm.s32 $0x7;
	[sflag:s21] =	ssyncset.done $0x0;
	v2 =	vor.u32 s1, v0  }
0x36: {  	s5 =	simm.s32 @!p0 $0x3;
	s14 =	simm.s32 $0x1;
	v3 =	vor.u32 s0, v0;
	[sflag:s21] =	ssyncadd.s32 $0xFFFFF000  }
0x37: {  	s15 =	simm.s32 $0x2;
	v4 =	vor.u32 s14, v0;
	_ =	swait.ge @!p0 [sflag:s5], $0x1000  }
0x38: {  	s16 =	simm.s32 $0x3;
	v5 =	vor.u32 s15, v0;
	[sflag:s5] =	ssyncset.done @!p0 $0x0  }
0x39: {  	s18 =	simm.s32 $0x5;
	v6 =	vor.u32 s16, v0;
	[sflag:s5] =	ssyncadd.s32 @!p0 $0xFFFFF000  }
0x3a: {  	s19 =	simm.s32 $0x6;
	v8 =	vor.u32 s18, v0;
	v7 =	vld.idx.msk [tilespmem:v2+s2+$0x0], $0xffff  }
0x3b: {  	s12 =	simm.s32 $0xF;
	v9 =	vor.u32 s19, v0;
	v3 =	vld.idx.msk [tilespmem:v3+s2+$0x0], $0xffff  }
0x3c: {  	s11 =	simm.s32 $0x4;
	v15 =	vor.u32 s12, v0;
	v4 =	vld.idx.msk [tilespmem:v4+s2+$0x0], $0xffff  }
0x3d: {  	v2 =	vor.u32 s11, v0;
	v5 =	vld.idx.msk [tilespmem:v5+s2+$0x0], $0xffff  }
0x3e: {  	v10 =	vor.u32 s0, v1;
	v6 =	vld.idx.msk [tilespmem:v6+s2+$0x0], $0xffff  }
0x3f: {  	v11 =	vor.u32 s14, v1;
	v8 =	vld.idx.msk [tilespmem:v8+s2+$0x0], $0xffff  }
0x40: {  	v12 =	vor.u32 s15, v1;
	s0 =	simm.s32 $0x4080;
	v9 =	vld.idx.msk [tilespmem:v9+s2+$0x0], $0xffff  }
0x41: {  	v13 =	vor.u32 s16, v1;
	v15 =	vld.idx.msk [tilespmem:v15+s2+$0x0], $0xffff;
	[tilespmem:s0+$0x60] =	vst v3  }
0x42: {  	v2 =	vld.idx.msk [tilespmem:v2+s2+$0x0], $0xffff;
	[tilespmem:s0+$0xFFFFFFA0] =	vst v4;
	v3 =	vor.u32 s18, v1  }
0x43: {  	[tilespmem:s0+$0xFFFFFFC0] =	vst v5;
	v5 =	vor.u32 s19, v1;
	v4 =	vld.idx.msk [tilespmem:v10+s2+$0x0], $0xffff  }
0x44: {  	[tilespmem:s0+$0xFFFFFFE0] =	vst v6;
	v6 =	vor.u32 s1, v1;
	v10 =	vld.idx.msk [tilespmem:v11+s2+$0x0], $0xffff  }
0x45: {  	v14 =	vor.u32 s11, v1;
	s14 =	simm.s32 $0x9;
	[tilespmem:s0+$0x20] =	vst v8;
	v12 =	vld.idx.msk [tilespmem:v12+s2+$0x0], $0xffff  }
0x46: {  	s15 =	simm.s32 $0xA;
	v8 =	vor.u32 s14, v0;
	[tilespmem:s0+$0x40] =	vst v9;
	v13 =	vld.idx.msk [tilespmem:v13+s2+$0x0], $0xffff  }
0x47: {  	s9 =	simm.s32 $0xC;
	s1 =	simm.s32 $0xE0;
	v9 =	vor.u32 s15, v0;
	[tilespmem:s0+$0xFFFFFF80] =	vst v7;
	v3 =	vld.idx.msk [tilespmem:v3+s2+$0x0], $0xffff  }
0x48: {  	s20 =	simm.s32 $0x8;
	s7 =	simm.s32 $0x20;
	v7 =	vor.u32 s9, v0;
	s6 =	sor.u32 $0x70, s1;
	[tilespmem:s0+$0x0] =	vst v2;
	v5 =	vld.idx.msk [tilespmem:v5+s2+$0x0], $0xffff  }
0x49: {  	s31 =	simm.s32 $0x40;
	s18 =	simm.s32 $0xB;
	s19 =	sor.u32 $0x30, s7;
	v11 =	vor.u32 s20, v0;
	v6 =	vld.idx.msk [tilespmem:v6+s2+$0x0], $0xffff;
	[tilespmem:s6+$0x4000] =	vst v4  }
0x4a: {  	s31 =	sor.u32 $0x50, s31;
	s7 =	simm.s32 $0xD;
	v14 =	vld.idx.msk [tilespmem:v14+s2+$0x0], $0xffff;
	v4 =	vor.u32 s18, v0;
	s6 =	simm.s32 $0x60;
	[tilespmem:s19+$0x4000] =	vst v10  }
0x4b: {  	v8 =	vld.idx.msk [tilespmem:v8+s2+$0x0], $0xffff;
	v10 =	vor.u32 s7, v0;
	[tilespmem:s31+$0x4000] =	vst v12;
	s31 =	simm.s32 $0xA0;
	s6 =	sor.u32 $0x70, s6  }
0x4c: {  	s10 =	simm.s32 $0xE;
	v9 =	vld.idx.msk [tilespmem:v9+s2+$0x0], $0xffff;
	s31 =	sor.u32 $0x30, s31;
	[tilespmem:s6+$0x4000] =	vst v13;
	v13 =	vor.u32 s12, v1  }
0x4d: {  	v17 =	vld.idx.msk [tilespmem:v7+s2+$0x0], $0xffff;
	v12 =	vor.u32 s10, v0;
	[tilespmem:s31+$0x4000] =	vst v3  }
0x4e: {  	v2 =	vld.idx.msk [tilespmem:v11+s2+$0x0], $0xffff;
	v3 =	vor.u32 s15, v1;
	[tilespmem:s0+$0xFFFFFF90] =	vst v6  }
0x4f: {  	s11 =	simm.s32 $0xC0;
	[tilespmem:s0+$0x10] =	vst v14;
	v14 =	vor.u32 s14, v1;
	v16 =	vld.idx.msk [tilespmem:v4+s2+$0x0], $0xffff;
	s0 =	simm.s32 $0x4180  }
0x50: {  	v18 =	vor.u32 s18, v1;
	s12 =	sor.u32 $0x50, s11;
	v11 =	vld.idx.msk [tilespmem:v10+s2+$0x0], $0xffff;
	[tilespmem:s0+$0x60] =	vst v15  }
0x51: {  	[tilespmem:s12+$0x4000] =	vst v5;
	v7 =	vld.idx.msk [tilespmem:v13+s2+$0x0], $0xffff;
	v13 =	vor.u32 s9, v1  }
0x52: {  	v10 =	vld.idx.msk [tilespmem:v12+s2+$0x0], $0xffff;
	v12 =	vor.u32 s7, v1;
	[tilespmem:s0+$0xFFFFFFC0] =	vst v9  }
0x53: {  	s31 =	simm.s32 $0x10;
	[tilespmem:s0+$0xFFFFFFA0] =	vst v8;
	v8 =	vor.u32 s10, v1;
	v5 =	vld.idx.msk [tilespmem:v3+s2+$0x0], $0xffff  }
0x54: {  	s16 =	simm.s32 $0x11;
	s18 =	simm.s32 $0x17;
	v3 =	vor.u32 s31, v0;
	v4 =	vld.idx.msk [tilespmem:v14+s2+$0x0], $0xffff;
	[tilespmem:s0+$0xFFFFFFE0] =	vst v16  }
0x55: {  	s19 =	simm.s32 $0x18;
	s15 =	simm.s32 $0x13;
	s14 =	simm.s32 $0x12;
	v9 =	vor.u32 s20, v1;
	[tilespmem:s0+$0x0] =	vst v17;
	v6 =	vld.idx.msk [tilespmem:v18+s2+$0x0], $0xffff  }
.LBB2_4:
0x56: {  	p1 =	slt.u32 s19, $0x78;
	s5 =	sadd.s32 $0x4, s31;
	v14 =	vor.u32 s18, v0;
	v13 =	vld.idx.msk [tilespmem:v13+s2+$0x0], $0xffff;
	[tilespmem:s0+$0x20] =	vst v11;
	s1 =	sadd.s32 $0x100, s1  }
0x57: {  	v11 =	vor.u32 s16, v0;
	s6 =	sadd.s32 $0xFFFFFF40, s1;
	s7 =	sadd.s32 $0xFFFFFF60, s1;
	v12 =	vld.idx.msk [tilespmem:v12+s2+$0x0], $0xffff;
	[tilespmem:s0+$0x40] =	vst v10;
	s20 =	sor.u32 $0x70, s1  }
0x58: {  	v10 =	vor.u32 s14, v0;
	s9 =	sadd.s32 $0xFFFFFF80, s1;
	s10 =	sadd.s32 $0xFFFFFFC0, s1;
	s11 =	sadd.s32 $0xFFFFFFE0, s1;
	v8 =	vld.idx.msk [tilespmem:v8+s2+$0x0], $0xffff;
	[tilespmem:s20+$0x4000] =	vst v7  }
0x59: {  	v7 =	vor.u32 s15, v0;
	s6 =	sor.u32 $0x30, s6;
	s7 =	sor.u32 $0x50, s7;
	s9 =	sor.u32 $0x70, s9;
	[tilespmem:s0+$0xFFFFFF80] =	vst v2;
	v2 =	vld.idx.msk [tilespmem:v3+s2+$0x0], $0xffff  }
0x5a: {  	s20 =	sadd.s32 $0x5, s31;
	v3 =	vor.u32 s5, v0;
	v9 =	vld.idx.msk [tilespmem:v9+s2+$0x0], $0xffff;
	[tilespmem:s6+$0x4000] =	vst v4;
	s6 =	sor.u32 $0x30, s10;
	s10 =	sor.u32 $0x50, s11  }
0x5b: {  	v4 =	vor.u32 s20, v0;
	s11 =	sadd.s32 $0x6, s31;
	v14 =	vld.idx.msk [tilespmem:v14+s2+$0x0], $0xffff;
	[tilespmem:s7+$0x4000] =	vst v5;
	s7 =	smov.u32 s31;
	s31 =	smov.u32 s19  }
0x5c: {  	v15 =	vor.u32 s11, v0;
	v5 =	vld.idx.msk [tilespmem:v11+s2+$0x0], $0xffff;
	[tilespmem:s9+$0x4000] =	vst v6  }
0x5d: {  	v16 =	vor.u32 s18, v1;
	v6 =	vld.idx.msk [tilespmem:v10+s2+$0x0], $0xffff;
	[tilespmem:s0+$0x10] =	vst v13  }
0x5e: {  	v17 =	vor.u32 s16, v1;
	v18 =	vld.idx.msk [tilespmem:v7+s2+$0x0], $0xffff;
	[tilespmem:s6+$0x4000] =	vst v12  }
0x5f: {  	v19 =	vor.u32 s14, v1;
	v20 =	vld.idx.msk [tilespmem:v3+s2+$0x0], $0xffff;
	[tilespmem:s10+$0x4000] =	vst v8  }
0x60: {  	v21 =	vor.u32 s15, v1;
	v11 =	vld.idx.msk [tilespmem:v4+s2+$0x0], $0xffff;
	[tilespmem:s0+$0xFFFFFF90] =	vst v9;
	s0 =	sadd.s32 $0x100, s0  }
.Ltmp5:
0x61: {  	v13 =	vor.u32 s5, v1;
	v10 =	vld.idx.msk [tilespmem:v15+s2+$0x0], $0xffff;
	[tilespmem:s0+$0x60] =	vst v14;
	(pc) =	sbr.rel @p1 .LBB2_4-.Ltmp5, $4  }
0x62: {  	v12 =	vor.u32 s20, v1;
	[tilespmem:s0+$0xFFFFFFA0] =	vst v5;
	v7 =	vld.idx.msk [tilespmem:v16+s2+$0x0], $0xffff  }
0x63: {  	v8 =	vor.u32 s11, v1;
	v4 =	vld.idx.msk [tilespmem:v17+s2+$0x0], $0xffff;
	[tilespmem:s0+$0xFFFFFFC0] =	vst v6  }
0x64: {  	s16 =	sadd.s32 $0x1, s19;
	s14 =	sadd.s32 $0x2, s19;
	v3 =	vor.u32 s19, v0;
	v5 =	vld.idx.msk [tilespmem:v19+s2+$0x0], $0xffff;
	[tilespmem:s0+$0xFFFFFFE0] =	vst v18  }
0x65: {  	s15 =	sadd.s32 $0x3, s31;
	s18 =	sadd.s32 $0x7, s31;
	s19 =	sadd.s32 $0x8, s19;
	v9 =	vor.u32 s7, v1;
	v6 =	vld.idx.msk [tilespmem:v21+s2+$0x0], $0xffff;
	[tilespmem:s0+$0x0] =	vst v20  }
0x66: {  	_ =	sdelay $0x1  }
0x67: {  	[tilespmem:s0+$0x20] =	vst v11  }
0x68: {  	s1 =	sadd.s32 $0x100, s1;
	[tilespmem:s0+$0x40] =	vst v10  }
0x69: {  	v41 =	vor.u32 s18, v0;
	v42 =	vld.idx.msk [tilespmem:v13+s2+$0x0], $0xffff;
	[tilespmem:s0+$0xFFFFFF80] =	vst v2;
	s5 =	sor.u32 $0x70, s1;
	s6 =	sadd.s32 $0xFFFFFF40, s1  }
0x6a: {  	v43 =	vor.u32 s16, v0;
	v3 =	vld.idx.msk [tilespmem:v3+s2+$0x0], $0xffff;
	s10 =	sadd.s32 $0xFFFFFF60, s1;
	[tilespmem:s5+$0x4000] =	vst v7;
	s6 =	sor.u32 $0x30, s6  }
0x6b: {  	v45 =	vor.u32 s14, v0;
	v44 =	vld.idx.msk [tilespmem:v12+s2+$0x0], $0xffff;
	s9 =	sadd.s32 $0xFFFFFF80, s1;
	s5 =	sor.u32 $0x50, s10;
	[tilespmem:s6+$0x4000] =	vst v4  }
0x6c: {  	s7 =	sadd.s32 $0x4, s31;
	v46 =	vor.u32 s15, v0;
	v2 =	vld.idx.msk [tilespmem:v8+s2+$0x0], $0xffff;
	s11 =	sor.u32 $0x70, s9;
	[tilespmem:s5+$0x4000] =	vst v5  }
0x6d: {  	s12 =	sadd.s32 $0x5, s31;
	v47 =	vor.u32 s7, v0;
	v9 =	vld.idx.msk [tilespmem:v9+s2+$0x0], $0xffff;
	[tilespmem:s11+$0x4000] =	vst v6  }
0x6e: {  	s19 =	sadd.s32 $0xFFFFFFC0, s1;
	v48 =	vor.u32 s12, v0;
	s10 =	sadd.s32 $0x6, s31;
	s11 =	sadd.s32 $0x100, s0;
	v11 =	vld.idx.msk [tilespmem:v41+s2+$0x0], $0xffff;
	[tilespmem:s0+$0x10] =	vst v42  }
0x6f: {  	s20 =	sadd.s32 $0xFFFFFFE0, s1;
	s5 =	sor.u32 $0x30, s19;
	v50 =	vor.u32 s10, v0;
	v49 =	vld.idx.msk [tilespmem:v43+s2+$0x0], $0xffff;
	[tilespmem:s11+$0xFFFFFF80] =	vst v3  }
0x70: {  	v52 =	vor.u32 s18, v1;
	s6 =	sor.u32 $0x50, s20;
	v51 =	vld.idx.msk [tilespmem:v45+s2+$0x0], $0xffff;
	[tilespmem:s5+$0x4000] =	vst v44  }
0x71: {  	v53 =	vld.idx.msk [tilespmem:v46+s2+$0x0], $0xffff;
	[tilespmem:s6+$0x4000] =	vst v2;
	v2 =	vor.u32 s16, v1  }
0x72: {  	v54 =	vor.u32 s14, v1;
	v4 =	vld.idx.msk [tilespmem:v47+s2+$0x0], $0xffff;
	[tilespmem:s0+$0xFFFFFF90] =	vst v9  }
0x73: {  	v55 =	vor.u32 s15, v1;
	v5 =	vld.idx.msk [tilespmem:v48+s2+$0x0], $0xffff;
	[tilespmem:s11+$0x60] =	vst v11  }
0x74: {  	v57 =	vor.u32 s7, v1;
	v56 =	vld.idx.msk [tilespmem:v50+s2+$0x0], $0xffff;
	[tilespmem:s11+$0xFFFFFFA0] =	vst v49  }
0x75: {  	v58 =	vor.u32 s12, v1;
	[tilespmem:s11+$0xFFFFFFC0] =	vst v51;
	v12 =	vld.idx.msk [tilespmem:v52+s2+$0x0], $0xffff  }
0x76: {  	v59 =	vor.u32 s10, v1;
	[tilespmem:s11+$0xFFFFFFE0] =	vst v53;
	v2 =	vld.idx.msk [tilespmem:v2+s2+$0x0], $0xffff  }
0x77: {  	v61 =	vor.u32 s31, v1;
	[tilespmem:s11+$0x0] =	vst v4;
	v60 =	vld.idx.msk [tilespmem:v54+s2+$0x0], $0xffff  }
0x78: {  	s1 =	sadd.s32 $0x100, s1;
	[tilespmem:s11+$0x20] =	vst v5;
	v62 =	vld.idx.msk [tilespmem:v55+s2+$0x0], $0xffff  }
0x79: {  	s12 =	sor.u32 $0x70, s1;
	s14 =	sadd.s32 $0xFFFFFF40, s1;
	v6 =	vld.idx.msk [tilespmem:v57+s2+$0x0], $0xffff;
	[tilespmem:s11+$0x40] =	vst v56  }
0x7a: {  	s15 =	sadd.s32 $0xFFFFFF60, s1;
	s6 =	sor.u32 $0x30, s14;
	v63 =	vld.idx.msk [tilespmem:v58+s2+$0x0], $0xffff;
	[tilespmem:s12+$0x4000] =	vst v12  }
0x7b: {  	s16 =	sadd.s32 $0xFFFFFF80, s1;
	s5 =	sor.u32 $0x50, s15;
	v3 =	vld.idx.msk [tilespmem:v59+s2+$0x0], $0xffff;
	[tilespmem:s6+$0x4000] =	vst v2  }
0x7c: {  	s18 =	sor.u32 $0x70, s16;
	v2 =	vld.idx.msk [tilespmem:v61+s2+$0x0], $0xffff;
	[tilespmem:s5+$0x4000] =	vst v60  }
0x7d: {  	s19 =	sadd.s32 $0xFFFFFFC0, s1;
	[tilespmem:s18+$0x4000] =	vst v62  }
0x7e: {  	s1 =	sadd.s32 $0xFFFFFFE0, s1;
	s5 =	sor.u32 $0x30, s19;
	[tilespmem:s11+$0x10] =	vst v6  }
0x7f: {  	s0 =	sadd.s32 $0x2, s30;
	s1 =	sor.u32 $0x50, s1;
	[tilespmem:s5+$0x4000] =	vst v63  }
0x80: {  	s20 =	sshll.u32 s29, $0xF;
	p1 =	sge.u32 s0, s4;
	[tilespmem:s1+$0x4000] =	vst v3  }
0x81: {  	s31 =	sadd.s32 s20, s8;
	s0 =	sshll.u32 @!p1 s0, $0xC;
	[tilespmem:s11+$0xFFFFFF90] =	vst v2  }
0x82: {  	[hbm4b:s31+s2] =	stream.linear.scatter [tilespmem:s22], [sflag:$0x3], $0x1000, $0x38;
	[tilespmem:$0x6000] =	vst v63  }
0x83: {  	s0 =	sadd.s32 @!p1 s0, s3;
	s1 =	simm.s32 @!p1 $0x0  }
0x84: {  	[tilespmem:s1], [sflag:$0x1] =	stream.linear.gather @!p1 [hbm4b:s0+s1], $0x400, $0x38;
	[tilespmem:$0x6000] =	vst v63  }
0x85: {  	s6 =	simm.s32 @!p1 $0x800;
	s5 =	sadd.s32 @!p1 $0xF4280, s0  }
0x86: {  	[tilespmem:s6], [sflag:$0x1] =	stream.linear.gather @!p1 [hbm4b:s5+s1], $0x400, $0x38;
	[tilespmem:$0x6000] =	vst v63  }
0x87: {  	s5 =	sadd.s32 @!p1 $0x1E8500, s0;
	s6 =	simm.s32 @!p1 $0x1000  }
0x88: {  	[tilespmem:s6], [sflag:$0x1] =	stream.linear.gather @!p1 [hbm4b:s5+s1], $0x400, $0x38;
	[tilespmem:$0x6000] =	vst v63  }
0x89: {  	s0 =	sadd.s32 @!p1 $0x2DC780, s0;
	s5 =	simm.s32 @!p1 $0x1800  }
0x8a: {  	[tilespmem:s5], [sflag:$0x1] =	stream.linear.gather @!p1 [hbm4b:s0+s1], $0x400, $0x38;
	[tilespmem:$0x6000] =	vst v63  }
.LBB2_6:
0x8b: {  	s31 =	sor.u32 $0x1, s30  }
0x8c: {  	p1 =	sge.u32 s31, s4  }
.Ltmp6:
0x8d: {  	_ = 	snop;
	(pc) =	sbr.rel @p1 .LBB2_10-.Ltmp6, $1  }
0x8e: {  	_ =	sdelay $0x3  }
0x8f: {  	_ =	swait.ge [sflag:s23], $0x1000;
	s0 =	simm.s32 $0x0  }
0x90: {  	s1 =	simm.s32 $0x7;
	[sflag:s23] =	ssyncset.done $0x0;
	v2 =	vor.u32 s0, v0  }
0x91: {  	s5 =	simm.s32 @!p0 $0x4;
	s6 =	simm.s32 $0x1;
	v3 =	vor.u32 s1, v0;
	[sflag:s23] =	ssyncadd.s32 $0xFFFFF000  }
0x92: {  	s7 =	simm.s32 $0x2;
	v4 =	vor.u32 s6, v0;
	_ =	swait.ge @!p0 [sflag:s5], $0x1000  }
0x93: {  	s9 =	simm.s32 $0x3;
	v5 =	vor.u32 s7, v0;
	[sflag:s5] =	ssyncset.done @!p0 $0x0  }
0x94: {  	s10 =	simm.s32 $0x5;
	v6 =	vor.u32 s9, v0;
	[sflag:s5] =	ssyncadd.s32 @!p0 $0xFFFFF000  }
0x95: {  	s11 =	simm.s32 $0x6;
	v8 =	vor.u32 s10, v0;
	v7 =	vld.idx.msk [tilespmem:v2+s17+$0x0], $0xffff  }
0x96: {  	v9 =	vor.u32 s11, v0;
	v11 =	vor.u32 s6, v1;
	s6 =	simm.s32 $0xF;
	v3 =	vld.idx.msk [tilespmem:v3+s17+$0x0], $0xffff  }
0x97: {  	s18 =	simm.s32 $0x4;
	v15 =	vor.u32 s6, v0;
	v4 =	vld.idx.msk [tilespmem:v4+s17+$0x0], $0xffff  }
0x98: {  	v2 =	vor.u32 s18, v0;
	v5 =	vld.idx.msk [tilespmem:v5+s17+$0x0], $0xffff  }
0x99: {  	v10 =	vor.u32 s1, v1;
	v6 =	vld.idx.msk [tilespmem:v6+s17+$0x0], $0xffff  }
0x9a: {  	v8 =	vld.idx.msk [tilespmem:v8+s17+$0x0], $0xffff  }
0x9b: {  	v12 =	vor.u32 s7, v1;
	s1 =	simm.s32 $0x5080;
	v9 =	vld.idx.msk [tilespmem:v9+s17+$0x0], $0xffff  }
0x9c: {  	v13 =	vor.u32 s9, v1;
	v15 =	vld.idx.msk [tilespmem:v15+s17+$0x0], $0xffff;
	[tilespmem:s1+$0x60] =	vst v3  }
0x9d: {  	v2 =	vld.idx.msk [tilespmem:v2+s17+$0x0], $0xffff;
	[tilespmem:s1+$0xFFFFFFA0] =	vst v4;
	v3 =	vor.u32 s10, v1  }
0x9e: {  	[tilespmem:s1+$0xFFFFFFC0] =	vst v5;
	v5 =	vor.u32 s11, v1;
	v4 =	vld.idx.msk [tilespmem:v10+s17+$0x0], $0xffff  }
0x9f: {  	[tilespmem:s1+$0xFFFFFFE0] =	vst v6;
	v6 =	vor.u32 s0, v1;
	v10 =	vld.idx.msk [tilespmem:v11+s17+$0x0], $0xffff  }
0xa0: {  	v14 =	vor.u32 s18, v1;
	s7 =	simm.s32 $0x9;
	[tilespmem:s1+$0x20] =	vst v8;
	v12 =	vld.idx.msk [tilespmem:v12+s17+$0x0], $0xffff  }
0xa1: {  	s9 =	simm.s32 $0xA;
	v8 =	vor.u32 s7, v0;
	[tilespmem:s1+$0x40] =	vst v9;
	v13 =	vld.idx.msk [tilespmem:v13+s17+$0x0], $0xffff  }
0xa2: {  	s5 =	simm.s32 $0x8;
	s0 =	simm.s32 $0xE0;
	v9 =	vor.u32 s9, v0;
	[tilespmem:s1+$0xFFFFFF80] =	vst v7;
	v3 =	vld.idx.msk [tilespmem:v3+s17+$0x0], $0xffff  }
0xa3: {  	s14 =	simm.s32 $0x20;
	s10 =	simm.s32 $0xC;
	v11 =	vor.u32 s5, v0;
	s19 =	sor.u32 $0x70, s0;
	[tilespmem:s1+$0x0] =	vst v2;
	v5 =	vld.idx.msk [tilespmem:v5+s17+$0x0], $0xffff  }
0xa4: {  	s15 =	simm.s32 $0x40;
	s14 =	sor.u32 $0x30, s14;
	s11 =	simm.s32 $0xB;
	v7 =	vor.u32 s10, v0;
	v6 =	vld.idx.msk [tilespmem:v6+s17+$0x0], $0xffff;
	[tilespmem:s19+$0x5000] =	vst v4  }
0xa5: {  	s16 =	simm.s32 $0x60;
	s15 =	sor.u32 $0x50, s15;
	s18 =	simm.s32 $0xD;
	v14 =	vld.idx.msk [tilespmem:v14+s17+$0x0], $0xffff;
	v4 =	vor.u32 s11, v0;
	[tilespmem:s14+$0x5000] =	vst v10  }
0xa6: {  	s20 =	sor.u32 $0x70, s16;
	v8 =	vld.idx.msk [tilespmem:v8+s17+$0x0], $0xffff;
	v10 =	vor.u32 s18, v0;
	[tilespmem:s15+$0x5000] =	vst v12  }
0xa7: {  	s12 =	simm.s32 $0xA0;
	s16 =	simm.s32 $0xE;
	v9 =	vld.idx.msk [tilespmem:v9+s17+$0x0], $0xffff;
	[tilespmem:s20+$0x5000] =	vst v13;
	v13 =	vor.u32 s6, v1;
	s14 =	simm.s32 $0x5180  }
0xa8: {  	v2 =	vld.idx.msk [tilespmem:v11+s17+$0x0], $0xffff;
	v12 =	vor.u32 s16, v0;
	s15 =	sor.u32 $0x30, s12;
	[tilespmem:s14+$0x60] =	vst v15  }
0xa9: {  	s19 =	simm.s32 $0xC0;
	v17 =	vld.idx.msk [tilespmem:v7+s17+$0x0], $0xffff;
	[tilespmem:s15+$0x5000] =	vst v3;
	v3 =	vor.u32 s9, v1  }
0xaa: {  	s20 =	sor.u32 $0x50, s19;
	[tilespmem:s1+$0x10] =	vst v14;
	v14 =	vor.u32 s7, v1;
	v16 =	vld.idx.msk [tilespmem:v4+s17+$0x0], $0xffff  }
0xab: {  	v18 =	vor.u32 s11, v1;
	[tilespmem:s20+$0x5000] =	vst v5;
	v11 =	vld.idx.msk [tilespmem:v10+s17+$0x0], $0xffff  }
0xac: {  	[tilespmem:s1+$0xFFFFFF90] =	vst v6;
	v7 =	vld.idx.msk [tilespmem:v13+s17+$0x0], $0xffff;
	v13 =	vor.u32 s10, v1  }
0xad: {  	[tilespmem:s14+$0xFFFFFFC0] =	vst v9;
	v10 =	vld.idx.msk [tilespmem:v12+s17+$0x0], $0xffff;
	v12 =	vor.u32 s18, v1  }
0xae: {  	[tilespmem:s14+$0xFFFFFFA0] =	vst v8;
	v8 =	vor.u32 s16, v1;
	s1 =	simm.s32 $0x10;
	v5 =	vld.idx.msk [tilespmem:v3+s17+$0x0], $0xffff  }
0xaf: {  	s19 =	simm.s32 $0x17;
	s15 =	simm.s32 $0x12;
	v3 =	vor.u32 s1, v0;
	v4 =	vld.idx.msk [tilespmem:v14+s17+$0x0], $0xffff;
	[tilespmem:s14+$0xFFFFFFE0] =	vst v16  }
0xb0: {  	s16 =	simm.s32 $0x13;
	s20 =	simm.s32 $0x18;
	v9 =	vor.u32 s5, v1;
	s18 =	simm.s32 $0x11;
	[tilespmem:s14+$0x0] =	vst v17;
	v6 =	vld.idx.msk [tilespmem:v18+s17+$0x0], $0xffff  }
.LBB2_8:
0xb1: {  	p0 =	slt.u32 s20, $0x78;
	s5 =	sadd.s32 $0x4, s1;
	v14 =	vor.u32 s19, v0;
	v13 =	vld.idx.msk [tilespmem:v13+s17+$0x0], $0xffff;
	[tilespmem:s14+$0x20] =	vst v11;
	s0 =	sadd.s32 $0x100, s0  }
0xb2: {  	v11 =	vor.u32 s18, v0;
	s6 =	sadd.s32 $0xFFFFFF40, s0;
	s7 =	sadd.s32 $0xFFFFFF60, s0;
	v12 =	vld.idx.msk [tilespmem:v12+s17+$0x0], $0xffff;
	[tilespmem:s14+$0x40] =	vst v10;
	s9 =	sor.u32 $0x70, s0  }
0xb3: {  	v10 =	vor.u32 s15, v0;
	s10 =	sadd.s32 $0xFFFFFF80, s0;
	s11 =	sadd.s32 $0xFFFFFFC0, s0;
	s12 =	sadd.s32 $0xFFFFFFE0, s0;
	v8 =	vld.idx.msk [tilespmem:v8+s17+$0x0], $0xffff;
	[tilespmem:s9+$0x5000] =	vst v7  }
0xb4: {  	v7 =	vor.u32 s16, v0;
	s6 =	sor.u32 $0x30, s6;
	s7 =	sor.u32 $0x50, s7;
	s9 =	sor.u32 $0x70, s10;
	[tilespmem:s14+$0xFFFFFF80] =	vst v2;
	v2 =	vld.idx.msk [tilespmem:v3+s17+$0x0], $0xffff  }
0xb5: {  	s10 =	sadd.s32 $0x5, s1;
	v3 =	vor.u32 s5, v0;
	v9 =	vld.idx.msk [tilespmem:v9+s17+$0x0], $0xffff;
	[tilespmem:s6+$0x5000] =	vst v4;
	s6 =	sor.u32 $0x30, s11;
	s11 =	sor.u32 $0x50, s12  }
0xb6: {  	v4 =	vor.u32 s10, v0;
	s12 =	sadd.s32 $0x6, s1;
	v14 =	vld.idx.msk [tilespmem:v14+s17+$0x0], $0xffff;
	[tilespmem:s7+$0x5000] =	vst v5;
	s7 =	smov.u32 s1;
	s1 =	smov.u32 s20  }
0xb7: {  	v15 =	vor.u32 s12, v0;
	v5 =	vld.idx.msk [tilespmem:v11+s17+$0x0], $0xffff;
	[tilespmem:s9+$0x5000] =	vst v6  }
0xb8: {  	v16 =	vor.u32 s19, v1;
	v6 =	vld.idx.msk [tilespmem:v10+s17+$0x0], $0xffff;
	[tilespmem:s14+$0x10] =	vst v13  }
0xb9: {  	v17 =	vor.u32 s18, v1;
	v18 =	vld.idx.msk [tilespmem:v7+s17+$0x0], $0xffff;
	[tilespmem:s6+$0x5000] =	vst v12  }
0xba: {  	v19 =	vor.u32 s15, v1;
	v20 =	vld.idx.msk [tilespmem:v3+s17+$0x0], $0xffff;
	[tilespmem:s11+$0x5000] =	vst v8  }
0xbb: {  	v21 =	vor.u32 s16, v1;
	v11 =	vld.idx.msk [tilespmem:v4+s17+$0x0], $0xffff;
	[tilespmem:s14+$0xFFFFFF90] =	vst v9;
	s14 =	sadd.s32 $0x100, s14  }
.Ltmp7:
0xbc: {  	v13 =	vor.u32 s5, v1;
	v10 =	vld.idx.msk [tilespmem:v15+s17+$0x0], $0xffff;
	[tilespmem:s14+$0x60] =	vst v14;
	(pc) =	sbr.rel @p0 .LBB2_8-.Ltmp7, $4  }
0xbd: {  	v12 =	vor.u32 s10, v1;
	[tilespmem:s14+$0xFFFFFFA0] =	vst v5;
	v7 =	vld.idx.msk [tilespmem:v16+s17+$0x0], $0xffff  }
0xbe: {  	v8 =	vor.u32 s12, v1;
	v4 =	vld.idx.msk [tilespmem:v17+s17+$0x0], $0xffff;
	[tilespmem:s14+$0xFFFFFFC0] =	vst v6  }
0xbf: {  	s18 =	sadd.s32 $0x1, s20;
	s15 =	sadd.s32 $0x2, s20;
	v3 =	vor.u32 s20, v0;
	v5 =	vld.idx.msk [tilespmem:v19+s17+$0x0], $0xffff;
	[tilespmem:s14+$0xFFFFFFE0] =	vst v18  }
0xc0: {  	s16 =	sadd.s32 $0x3, s1;
	s19 =	sadd.s32 $0x7, s1;
	s20 =	sadd.s32 $0x8, s20;
	v9 =	vor.u32 s7, v1;
	v6 =	vld.idx.msk [tilespmem:v21+s17+$0x0], $0xffff;
	[tilespmem:s14+$0x0] =	vst v20  }
0xc1: {  	_ =	sdelay $0x1  }
0xc2: {  	[tilespmem:s14+$0x20] =	vst v11  }
0xc3: {  	s0 =	sadd.s32 $0x100, s0;
	[tilespmem:s14+$0x40] =	vst v10  }
0xc4: {  	v41 =	vor.u32 s19, v0;
	v42 =	vld.idx.msk [tilespmem:v13+s17+$0x0], $0xffff;
	[tilespmem:s14+$0xFFFFFF80] =	vst v2;
	s5 =	sor.u32 $0x70, s0;
	s6 =	sadd.s32 $0xFFFFFF40, s0  }
0xc5: {  	v43 =	vor.u32 s18, v0;
	v3 =	vld.idx.msk [tilespmem:v3+s17+$0x0], $0xffff;
	s11 =	sadd.s32 $0xFFFFFF60, s0;
	[tilespmem:s5+$0x5000] =	vst v7;
	s6 =	sor.u32 $0x30, s6  }
0xc6: {  	v45 =	vor.u32 s15, v0;
	v44 =	vld.idx.msk [tilespmem:v12+s17+$0x0], $0xffff;
	s9 =	sadd.s32 $0xFFFFFF80, s0;
	s5 =	sor.u32 $0x50, s11;
	[tilespmem:s6+$0x5000] =	vst v4  }
0xc7: {  	s7 =	sadd.s32 $0x4, s1;
	v46 =	vor.u32 s16, v0;
	v2 =	vld.idx.msk [tilespmem:v8+s17+$0x0], $0xffff;
	s12 =	sor.u32 $0x70, s9;
	[tilespmem:s5+$0x5000] =	vst v5  }
0xc8: {  	s10 =	sadd.s32 $0x6, s1;
	v47 =	vor.u32 s7, v0;
	v9 =	vld.idx.msk [tilespmem:v9+s17+$0x0], $0xffff;
	[tilespmem:s12+$0x5000] =	vst v6  }
0xc9: {  	s20 =	sadd.s32 $0xFFFFFFC0, s0;
	v50 =	vor.u32 s10, v0;
	s9 =	sadd.s32 $0x5, s1;
	s12 =	sadd.s32 $0x100, s14;
	v11 =	vld.idx.msk [tilespmem:v41+s17+$0x0], $0xffff;
	[tilespmem:s14+$0x10] =	vst v42  }
0xca: {  	s11 =	sadd.s32 $0xFFFFFFE0, s0;
	v48 =	vor.u32 s9, v0;
	s5 =	sor.u32 $0x30, s20;
	v49 =	vld.idx.msk [tilespmem:v43+s17+$0x0], $0xffff;
	[tilespmem:s12+$0xFFFFFF80] =	vst v3  }
0xcb: {  	v52 =	vor.u32 s19, v1;
	s6 =	sor.u32 $0x50, s11;
	v51 =	vld.idx.msk [tilespmem:v45+s17+$0x0], $0xffff;
	[tilespmem:s5+$0x5000] =	vst v44  }
0xcc: {  	v53 =	vld.idx.msk [tilespmem:v46+s17+$0x0], $0xffff;
	[tilespmem:s6+$0x5000] =	vst v2;
	v2 =	vor.u32 s18, v1  }
0xcd: {  	v54 =	vor.u32 s15, v1;
	v4 =	vld.idx.msk [tilespmem:v47+s17+$0x0], $0xffff;
	[tilespmem:s14+$0xFFFFFF90] =	vst v9  }
0xce: {  	v55 =	vor.u32 s16, v1;
	v56 =	vld.idx.msk [tilespmem:v50+s17+$0x0], $0xffff;
	[tilespmem:s12+$0x60] =	vst v11  }
0xcf: {  	v57 =	vor.u32 s7, v1;
	v5 =	vld.idx.msk [tilespmem:v48+s17+$0x0], $0xffff;
	[tilespmem:s12+$0xFFFFFFA0] =	vst v49  }
0xd0: {  	v59 =	vor.u32 s10, v1;
	[tilespmem:s12+$0xFFFFFFC0] =	vst v51;
	v12 =	vld.idx.msk [tilespmem:v52+s17+$0x0], $0xffff  }
0xd1: {  	v58 =	vor.u32 s9, v1;
	[tilespmem:s12+$0xFFFFFFE0] =	vst v53;
	v2 =	vld.idx.msk [tilespmem:v2+s17+$0x0], $0xffff  }
0xd2: {  	v61 =	vor.u32 s1, v1;
	[tilespmem:s12+$0x0] =	vst v4;
	v60 =	vld.idx.msk [tilespmem:v54+s17+$0x0], $0xffff  }
0xd3: {  	s0 =	sadd.s32 $0x100, s0;
	v62 =	vld.idx.msk [tilespmem:v55+s17+$0x0], $0xffff;
	[tilespmem:s12+$0x40] =	vst v56  }
0xd4: {  	s15 =	sadd.s32 $0xFFFFFF40, s0;
	s14 =	sor.u32 $0x70, s0;
	v6 =	vld.idx.msk [tilespmem:v57+s17+$0x0], $0xffff;
	[tilespmem:s12+$0x20] =	vst v5  }
0xd5: {  	s16 =	sadd.s32 $0xFFFFFF60, s0;
	s6 =	sor.u32 $0x30, s15;
	v3 =	vld.idx.msk [tilespmem:v59+s17+$0x0], $0xffff;
	[tilespmem:s14+$0x5000] =	vst v12  }
0xd6: {  	s1 =	sor.u32 $0x50, s16;
	s18 =	sadd.s32 $0xFFFFFF80, s0;
	v63 =	vld.idx.msk [tilespmem:v58+s17+$0x0], $0xffff;
	[tilespmem:s6+$0x5000] =	vst v2  }
0xd7: {  	s19 =	sor.u32 $0x70, s18;
	v2 =	vld.idx.msk [tilespmem:v61+s17+$0x0], $0xffff;
	[tilespmem:s1+$0x5000] =	vst v60  }
0xd8: {  	s20 =	sadd.s32 $0xFFFFFFC0, s0;
	s0 =	sadd.s32 $0xFFFFFFE0, s0;
	[tilespmem:s19+$0x5000] =	vst v62  }
0xd9: {  	s0 =	sor.u32 $0x50, s0;
	[tilespmem:s12+$0x10] =	vst v6  }
0xda: {  	s1 =	sor.u32 $0x30, s20;
	[tilespmem:s0+$0x5000] =	vst v3  }
0xdb: {  	s31 =	sshll.u32 s31, $0xE;
	[tilespmem:s1+$0x5000] =	vst v63  }
0xdc: {  	s0 =	sadd.s32 s31, s8;
	[tilespmem:s12+$0xFFFFFF90] =	vst v2  }
0xdd: {  	[hbm4b:s0+s2] =	stream.linear.scatter [tilespmem:s24], [sflag:$0x4], $0x1000, $0x38;
	[tilespmem:$0x6000] =	vst v63  }
0xde: {  	s0 =	sadd.s32 $0x3, s30  }
0xdf: {  	p0 =	sge.u32 s0, s4  }
0xe0: {  	s0 =	sshll.u32 @!p0 s0, $0xC  }
0xe1: {  	s1 =	simm.s32 @!p0 $0x0;
	s5 =	simm.s32 @!p0 $0x2000;
	s0 =	sadd.s32 @!p0 s0, s3  }
0xe2: {  	[tilespmem:s5], [sflag:$0x2] =	stream.linear.gather @!p0 [hbm4b:s0+s1], $0x400, $0x38;
	[tilespmem:$0x6000] =	vst v63  }
0xe3: {  	s6 =	simm.s32 @!p0 $0x2800;
	s5 =	sadd.s32 @!p0 $0xF4280, s0  }
0xe4: {  	[tilespmem:s6], [sflag:$0x2] =	stream.linear.gather @!p0 [hbm4b:s5+s1], $0x400, $0x38;
	[tilespmem:$0x6000] =	vst v63  }
.Ltmp8:
0xe5: {  	_ = 	snop;
	(pc) =	sbr.rel .LBB2_10-.Ltmp8, $4  }
0xe6: {  	s5 =	sadd.s32 @!p0 $0x1E8500, s0;
	s6 =	simm.s32 @!p0 $0x3000  }
0xe7: {  	[tilespmem:s6], [sflag:$0x2] =	stream.linear.gather @!p0 [hbm4b:s5+s1], $0x400, $0x38;
	[tilespmem:$0x6000] =	vst v63  }
0xe8: {  	s0 =	sadd.s32 @!p0 $0x2DC780, s0;
	s5 =	simm.s32 @!p0 $0x3800  }
0xe9: {  	[tilespmem:s5], [sflag:$0x2] =	stream.linear.gather @!p0 [hbm4b:s0+s1], $0x400, $0x38;
	[tilespmem:$0x6000] =	vst v63  }
.LBB2_12:
0xea: {  	_ =	sfence.sel $0x180000  }
0xeb: {  	[bflag:$0x0] =	sbarrier.arrive $0xFFFF  }
0xec: {  	_ =	strace $0x90000047  }
0xed: {  	s0 =	stileid.u32;
	[bflag:$0x2] =	sbarrier.arrive $0xFFFF  }
0xee: {  	p0 =	sne.s32 s0, $0x0;
	s0 =	rddreg [dreg:$0x2]  }
0xef: {  	s0 =	sadd.s32 @!p0 $0x100000, s0  }
0xf0: {  	[sflag:s0] =	ssyncadd.tile.s32 @!p0 $0x1;
	_ =	shalt  }
.Lfunc_end2:
_tile_overlayer_lowered:
.L_overlay_start_2:
0xf1: {  	(tag) =	ssettag $0x2  }
0xf2: {  	s0 =	rddreg [dreg:$0x0];
	s2 =	stileid.u32  }
0xf3: {  	s1 =	rddreg [dreg:$0x1];
	p0 =	sne.s32 s2, $0x0  }
0xf4: {  	s3 =	rddreg [dreg:$0x2];
	[bflag:$0x3] =	sbarrier.arrive $0xFFFF;
	s2 =	simm.s32 @!p0 $0x1C05  }
0xf5: {  	[timem:s3], [sflag:s2] =	dma.local @!p0 [hbm:s0], s1  }
0xf6: {  	s0 =	simm.s32 @!p0 $0x5  }
0xf7: {  	_ =	swait.ge @!p0 [sflag:s0], s1  }
0xf8: {  	s1 =	ssub.s32 @!p0 $0x0, s1;
	[sflag:s0] =	ssyncset.done @!p0 $0x0  }
0xf9: {  	[sflag:s0] =	ssyncadd.s32 @!p0 s1  }
0xfa: {  	[bflag:$0x3] =	sbarrier.arrive $0xFFFF  }
0xfb: {  	_ =	shalt  }

</sc_bundles>
